<compile_context>
chip_gen: v7x
topology: tpu7x:2x2x1
jax: 0.10.2.dev20260603
libtpu: 0.0.44.dev20260713+nightly
codegen_flags: <defaults>
</compile_context>

<pallas_src>
import functools

import jax
import jax.numpy as jnp
from jax import lax
from jax.experimental import pallas as pl
from jax.experimental.pallas import tpu as pltpu
from jax.experimental.pallas import tpu_sc as plsc

N = 10000
D = 128
E = 320000
NP = 10240
NC = 2
NS = 16
NW = NC * NS
CH = 128
KC = 79
EPW = KC * CH
EPAD = NW * EPW
RPT = NP // NS

_mesh = plsc.VectorSubcoreMesh(core_axis_name="c", subcore_axis_name="s")
_sc_params = pltpu.CompilerParams(needs_layout_passes=False)



@functools.partial(
    pl.kernel,
    out_type=jax.ShapeDtypeStruct((NW, NP), jnp.float32),
    mesh=_mesh,
    scratch_types=[
        pltpu.VMEM((EPW,), jnp.int32),
        pltpu.VMEM((EPW,), jnp.float32),
        pltpu.VMEM((NP,), jnp.float32),
    ],
    compiler_params=_sc_params,
)
def _deg_kernel(colf_hbm, ewf_hbm, degp_hbm, colv, ewv, acc):
    wid = lax.axis_index("s") * NC + lax.axis_index("c")
    pltpu.sync_copy(colf_hbm.at[wid], colv)
    pltpu.sync_copy(ewf_hbm.at[wid], ewv)

    def zero_body(i, _):
        acc[pl.ds(pl.multiple_of(i * 16, 16), 16)] = jnp.zeros((16,), jnp.float32)
        return 0
    lax.fori_loop(0, NP // 16, zero_body, 0)

    def body(i, _):
        sl = pl.ds(pl.multiple_of(i * 16, 16), 16)
        plsc.addupdate_scatter(acc, [colv[sl]], ewv[sl])
        return 0
    lax.fori_loop(0, EPW // 16, body, 0)
    pltpu.sync_copy(acc, degp_hbm.at[wid])


@functools.partial(
    pl.kernel,
    out_type=jax.ShapeDtypeStruct((NC, NP, D), jnp.float32),
    mesh=_mesh,
    scratch_types=[
        pltpu.VMEM((KC, CH), jnp.int32),
        pltpu.VMEM((KC, CH), jnp.int32),
        pltpu.VMEM((EPW,), jnp.float32),
        pltpu.VMEM((CH, D), jnp.float32),
        pltpu.VMEM_SHARED((NP, D), jnp.float32),
    ],
    compiler_params=_sc_params,
)
def _gs_kernel(hp_hbm, row3_hbm, col3_hbm, ewf_hbm, out_hbm,
               rowv, colv, ewv, rows, acc):
    cid = lax.axis_index("c")
    sid = lax.axis_index("s")
    wid = sid * NC + cid
    pltpu.sync_copy(row3_hbm.at[wid], rowv)
    pltpu.sync_copy(col3_hbm.at[wid], colv)
    pltpu.sync_copy(ewf_hbm.at[wid], ewv)

    def zrow(i, _):
        r = i // 8
        j = (i % 8) * 16
        rows[r, pl.ds(pl.multiple_of(j, 16), 16)] = jnp.zeros((16,), jnp.float32)
        return 0
    lax.fori_loop(0, CH * 8, zrow, 0)
    for t in range(RPT // CH):
        pltpu.sync_copy(rows, acc.at[pl.ds(sid * RPT + t * CH, CH)])
    plsc.subcore_barrier()

    def chunk(c, _):
        pltpu.sync_copy(hp_hbm.at[rowv.at[c]], rows)

        def edge(e, _):
            sv = plsc.load_gather(ewv, [jnp.full((16,), c * CH + e, jnp.int32)])
            for j in range(8):
                sl = pl.ds(j * 16, 16)
                rows[e, sl] = rows[e, sl] * sv
            return 0
        lax.fori_loop(0, CH, edge, 0)

        pltpu.sync_copy(rows, acc.at[colv.at[c]], add=True)
        return 0
    lax.fori_loop(0, KC, chunk, 0)

    plsc.subcore_barrier()
    sl = pl.ds(sid * RPT, RPT)
    pltpu.sync_copy(acc.at[sl], out_hbm.at[cid, sl])



def _mkdis_body(degp_ref, dis_ref):
    s = jnp.sum(degp_ref[...], axis=0, keepdims=True) + 1.0
    dis_ref[...] = lax.rsqrt(s)


_mkdis = pl.pallas_call(
    _mkdis_body,
    out_shape=jax.ShapeDtypeStruct((1, NP), jnp.float32),
)


def _scalemm_body(x_ref, w_ref, dis_ref, o_ref):
    h = jnp.dot(x_ref[...], w_ref[...], preferred_element_type=jnp.float32)
    o_ref[...] = dis_ref[...] * h


_scalemm = pl.pallas_call(
    _scalemm_body,
    out_shape=jax.ShapeDtypeStruct((NP, D), jnp.float32),
)


def _combine_body(s_ref, hp_ref, dis_ref, b_ref, w_ref, o_ref):
    t = s_ref[0] + s_ref[1] + hp_ref[...]
    z = dis_ref[...] * t + b_ref[...]
    h2 = jnp.maximum(z, 0.0)
    h = jnp.dot(h2, w_ref[...], preferred_element_type=jnp.float32)
    o_ref[...] = dis_ref[...] * h


_combine = pl.pallas_call(
    _combine_body,
    out_shape=jax.ShapeDtypeStruct((NP, D), jnp.float32),
)


def _final_body(s_ref, hp_ref, dis_ref, b_ref, o_ref):
    t = s_ref[0] + s_ref[1] + hp_ref[...]
    o_ref[...] = dis_ref[...] * t + b_ref[...]


_final = pl.pallas_call(
    _final_body,
    out_shape=jax.ShapeDtypeStruct((NP, D), jnp.float32),
)



def kernel(x, edge_index, edge_weight, W1, b1, W2, b2):
    row = edge_index[0].astype(jnp.int32)
    col = edge_index[1].astype(jnp.int32)
    ew = edge_weight.astype(jnp.float32)
    pad = EPAD - E
    rowp = jnp.concatenate([row, jnp.zeros((pad,), jnp.int32)])
    colp = jnp.concatenate([col, jnp.zeros((pad,), jnp.int32)])
    ewp = jnp.concatenate([ew, jnp.zeros((pad,), jnp.float32)])
    row3 = rowp.reshape(NW, KC, CH)
    col3 = colp.reshape(NW, KC, CH)
    colf = colp.reshape(NW, EPW)
    ewf = ewp.reshape(NW, EPW)
    xp = jnp.pad(x, ((0, NP - N), (0, 0)))
    b1r = b1.reshape(1, D)
    b2r = b2.reshape(1, D)

    degp = _deg_kernel(colf, ewf)
    dis = _mkdis(degp)
    dis2 = dis.reshape(NP, 1)
    h1p = _scalemm(xp, W1, dis2)
    s1 = _gs_kernel(h1p, row3, col3, ewf)
    h2p = _combine(s1, h1p, dis2, b1r, W2)
    s2 = _gs_kernel(h2p, row3, col3, ewf)
    out = _final(s2, h2p, dis2, b2r)
    return out[:N]

# --- scband reference (transcript-rebuilt; emitter-appended) ---
"""Pipeline reference for scband-gnnmodel-42064909697775 (READ-ONLY COPY).

The authoritative reference and input builder live on the scoring server;
editing this copy changes nothing except your own understanding.
"""

import jax, jax.numpy as jnp
import numpy as np

N_NODES = 10000
N_EDGES = 320000
D_IN = 128
D_HID = 128


def setup_inputs(seed: int = 0) -> dict:
    key = jax.random.key(seed)
    k1, k2, k3, k4, k5, k6, k7 = jax.random.split(key, 7)
    x = jax.random.normal(k1, (N_NODES, D_IN), dtype=jnp.float32)
    edge_index = jax.random.randint(k2, (2, N_EDGES), 0, N_NODES, dtype=jnp.int64)
    edge_weight = jax.random.uniform(k3, (N_EDGES,), dtype=jnp.float32)
    # GCNConv glorot-style params
    s1 = (6.0 / (D_IN + D_HID)) ** 0.5
    W1 = jax.random.uniform(k4, (D_IN, D_HID), dtype=jnp.float32, minval=-s1, maxval=s1)
    b1 = jnp.zeros((D_HID,), dtype=jnp.float32)
    s2 = (6.0 / (D_HID + D_HID)) ** 0.5
    W2 = jax.random.uniform(k5, (D_HID, D_HID), dtype=jnp.float32, minval=-s2, maxval=s2)
    b2 = jnp.zeros((D_HID,), dtype=jnp.float32)
    return {"x": x, "edge_index": edge_index, "edge_weight": edge_weight,
            "W1": W1, "b1": b1, "W2": W2, "b2": b2}


def gcn_conv(x, edge_index, edge_weight, W, b):
    # Faithful PyG GCNConv: add self-loops (weight 1), symmetric normalization,
    # linear transform, scatter-add aggregation to destination nodes, bias.
    N = x.shape[0]
    loop = jnp.arange(N, dtype=edge_index.dtype)
    row = jnp.concatenate([edge_index[0], loop])
    col = jnp.concatenate([edge_index[1], loop])
    ew = jnp.concatenate([edge_weight, jnp.ones((N,), dtype=edge_weight.dtype)])
    deg = jnp.zeros((N,), dtype=ew.dtype).at[col].add(ew)
    deg_inv_sqrt = jnp.where(deg > 0, deg ** -0.5, 0.0)
    norm = deg_inv_sqrt[row] * ew * deg_inv_sqrt[col]
    h = x @ W
    msg = h[row] * norm[:, None]
    out = jnp.zeros((N, W.shape[1]), dtype=h.dtype).at[col].add(msg)
    return out + b


def reference(x, edge_index, edge_weight, W1, b1, W2, b2):
    h = gcn_conv(x, edge_index, edge_weight, W1, b1)
    h = jax.nn.relu(h)
    out = gcn_conv(h, edge_index, edge_weight, W2, b2)
    return out

if __name__ == "__main__":
    import jax
    _d = setup_inputs()
    print(jax.jit(kernel)(*tuple(_d.values())))

</pallas_src>

<mosaic_0001>
#map = affine_map<(d0, d1) -> (0, 0)>
#map1 = affine_map<(d0, d1) -> (0, 0, 0)>
module attributes {stable_mosaic.version = 14 : i64} {
  func.func @_gs_kernel(%arg0: i32, %arg1: i32, %arg2: memref<10240x128xf32, #tpu.memory_space<hbm>>, %arg3: memref<32x79x128xi32, #tpu.memory_space<hbm>>, %arg4: memref<32x79x128xi32, #tpu.memory_space<hbm>>, %arg5: memref<32x10112xf32, #tpu.memory_space<hbm>>, %arg6: memref<2x10240x128xf32, #tpu.memory_space<hbm>>, %arg7: memref<79x128xi32, #tpu.memory_space<vmem>>, %arg8: memref<79x128xi32, #tpu.memory_space<vmem>>, %arg9: memref<10112xf32, #tpu.memory_space<vmem>>, %arg10: memref<128x128xf32, #tpu.memory_space<vmem>>, %arg11: memref<10240x128xf32, #tpu.memory_space<vmem_shared>>) attributes {dimension_semantics = [#tpu.dimension_semantics<core_parallel>, #tpu.dimension_semantics<subcore_parallel>], iteration_bounds = array<i64: 2, 16>, scalar_prefetch = 0 : i64, scratch_operands = 5 : i64, tpu.core_type = #tpu.core_type<sc_vector_subcore>, window_params = [{transform_indices = #map}, {transform_indices = #map1}, {transform_indices = #map1}, {transform_indices = #map}, {transform_indices = #map1}]} {
    %mul3A = arith.constant 2 : i32
    %mul3A_0 = arith.muli %arg1, %mul3A : i32
    %add3A = arith.addi %mul3A_0, %arg0 : i32
    "tpu.region"() ({
      %run_scoped3A = tpu.sem_alloc : memref<!tpu.dma_semaphore, #tpu.memory_space<semaphore_mem>>
      %dma_start3A = arith.constant 0 : i32
      %dma_start3A_37 = arith.constant 0 : i32
      %dma_start3A_38 = tpu.memref_slice %arg3[%add3A, %dma_start3A, %dma_start3A_37] : memref<32x79x128xi32, #tpu.memory_space<hbm>> -> memref<1x79x128xi32, #tpu.memory_space<hbm>>
      %dma_start3A_39 = tpu.memref_squeeze %dma_start3A_38 : memref<1x79x128xi32, #tpu.memory_space<hbm>> -> memref<79x128xi32, #tpu.memory_space<hbm>>
      %dma_start3A_40 = arith.constant 0 : i32
      %dma_start3A_41 = arith.constant 0 : i32
      %dma_start3A_42 = tpu.memref_slice %arg3[%add3A, %dma_start3A_40, %dma_start3A_41] : memref<32x79x128xi32, #tpu.memory_space<hbm>> -> memref<1x79x128xi32, #tpu.memory_space<hbm>>
      %dma_start3A_43 = tpu.memref_squeeze %dma_start3A_42 : memref<1x79x128xi32, #tpu.memory_space<hbm>> -> memref<79x128xi32, #tpu.memory_space<hbm>>
      tpu.enqueue_dma source(%dma_start3A_43 : memref<79x128xi32, #tpu.memory_space<hbm>>) target(%arg7 : memref<79x128xi32, #tpu.memory_space<vmem>>) target_semaphore(%run_scoped3A : memref<!tpu.dma_semaphore, #tpu.memory_space<semaphore_mem>>)
      %dma_wait3A = arith.constant 0 : i32
      %dma_wait3A_44 = arith.constant 0 : i32
      %dma_wait3A_45 = tpu.memref_slice %arg3[%add3A, %dma_wait3A, %dma_wait3A_44] : memref<32x79x128xi32, #tpu.memory_space<hbm>> -> memref<1x79x128xi32, #tpu.memory_space<hbm>>
      %dma_wait3A_46 = tpu.memref_squeeze %dma_wait3A_45 : memref<1x79x128xi32, #tpu.memory_space<hbm>> -> memref<79x128xi32, #tpu.memory_space<hbm>>
      %dma_wait3A_47 = arith.constant 0 : i32
      %dma_wait3A_48 = arith.constant 0 : i32
      %dma_wait3A_49 = tpu.memref_slice %arg3[%add3A, %dma_wait3A_47, %dma_wait3A_48] : memref<32x79x128xi32, #tpu.memory_space<hbm>> -> memref<1x79x128xi32, #tpu.memory_space<hbm>>
      %dma_wait3A_50 = tpu.memref_squeeze %dma_wait3A_49 : memref<1x79x128xi32, #tpu.memory_space<hbm>> -> memref<79x128xi32, #tpu.memory_space<hbm>>
      tpu.wait_dma2 semaphore(%run_scoped3A : memref<!tpu.dma_semaphore, #tpu.memory_space<semaphore_mem>>) src(%dma_wait3A_50 : memref<79x128xi32, #tpu.memory_space<hbm>>) dst(%arg7 : memref<79x128xi32, #tpu.memory_space<vmem>>)
      tpu.yield
    }) : () -> ()
    "tpu.region"() ({
      %run_scoped3A = tpu.sem_alloc : memref<!tpu.dma_semaphore, #tpu.memory_space<semaphore_mem>>
      %dma_start3A = arith.constant 0 : i32
      %dma_start3A_37 = arith.constant 0 : i32
      %dma_start3A_38 = tpu.memref_slice %arg4[%add3A, %dma_start3A, %dma_start3A_37] : memref<32x79x128xi32, #tpu.memory_space<hbm>> -> memref<1x79x128xi32, #tpu.memory_space<hbm>>
      %dma_start3A_39 = tpu.memref_squeeze %dma_start3A_38 : memref<1x79x128xi32, #tpu.memory_space<hbm>> -> memref<79x128xi32, #tpu.memory_space<hbm>>
      %dma_start3A_40 = arith.constant 0 : i32
      %dma_start3A_41 = arith.constant 0 : i32
      %dma_start3A_42 = tpu.memref_slice %arg4[%add3A, %dma_start3A_40, %dma_start3A_41] : memref<32x79x128xi32, #tpu.memory_space<hbm>> -> memref<1x79x128xi32, #tpu.memory_space<hbm>>
      %dma_start3A_43 = tpu.memref_squeeze %dma_start3A_42 : memref<1x79x128xi32, #tpu.memory_space<hbm>> -> memref<79x128xi32, #tpu.memory_space<hbm>>
      tpu.enqueue_dma source(%dma_start3A_43 : memref<79x128xi32, #tpu.memory_space<hbm>>) target(%arg8 : memref<79x128xi32, #tpu.memory_space<vmem>>) target_semaphore(%run_scoped3A : memref<!tpu.dma_semaphore, #tpu.memory_space<semaphore_mem>>)
      %dma_wait3A = arith.constant 0 : i32
      %dma_wait3A_44 = arith.constant 0 : i32
      %dma_wait3A_45 = tpu.memref_slice %arg4[%add3A, %dma_wait3A, %dma_wait3A_44] : memref<32x79x128xi32, #tpu.memory_space<hbm>> -> memref<1x79x128xi32, #tpu.memory_space<hbm>>
      %dma_wait3A_46 = tpu.memref_squeeze %dma_wait3A_45 : memref<1x79x128xi32, #tpu.memory_space<hbm>> -> memref<79x128xi32, #tpu.memory_space<hbm>>
      %dma_wait3A_47 = arith.constant 0 : i32
      %dma_wait3A_48 = arith.constant 0 : i32
      %dma_wait3A_49 = tpu.memref_slice %arg4[%add3A, %dma_wait3A_47, %dma_wait3A_48] : memref<32x79x128xi32, #tpu.memory_space<hbm>> -> memref<1x79x128xi32, #tpu.memory_space<hbm>>
      %dma_wait3A_50 = tpu.memref_squeeze %dma_wait3A_49 : memref<1x79x128xi32, #tpu.memory_space<hbm>> -> memref<79x128xi32, #tpu.memory_space<hbm>>
      tpu.wait_dma2 semaphore(%run_scoped3A : memref<!tpu.dma_semaphore, #tpu.memory_space<semaphore_mem>>) src(%dma_wait3A_50 : memref<79x128xi32, #tpu.memory_space<hbm>>) dst(%arg8 : memref<79x128xi32, #tpu.memory_space<vmem>>)
      tpu.yield
    }) : () -> ()
    "tpu.region"() ({
      %run_scoped3A = tpu.sem_alloc : memref<!tpu.dma_semaphore, #tpu.memory_space<semaphore_mem>>
      %dma_start3A = arith.constant 0 : i32
      %dma_start3A_37 = tpu.memref_slice %arg5[%add3A, %dma_start3A] : memref<32x10112xf32, #tpu.memory_space<hbm>> -> memref<1x10112xf32, #tpu.memory_space<hbm>>
      %dma_start3A_38 = tpu.memref_squeeze %dma_start3A_37 : memref<1x10112xf32, #tpu.memory_space<hbm>> -> memref<10112xf32, #tpu.memory_space<hbm>>
      %dma_start3A_39 = arith.constant 0 : i32
      %dma_start3A_40 = tpu.memref_slice %arg5[%add3A, %dma_start3A_39] : memref<32x10112xf32, #tpu.memory_space<hbm>> -> memref<1x10112xf32, #tpu.memory_space<hbm>>
      %dma_start3A_41 = tpu.memref_squeeze %dma_start3A_40 : memref<1x10112xf32, #tpu.memory_space<hbm>> -> memref<10112xf32, #tpu.memory_space<hbm>>
      tpu.enqueue_dma source(%dma_start3A_41 : memref<10112xf32, #tpu.memory_space<hbm>>) target(%arg9 : memref<10112xf32, #tpu.memory_space<vmem>>) target_semaphore(%run_scoped3A : memref<!tpu.dma_semaphore, #tpu.memory_space<semaphore_mem>>)
      %dma_wait3A = arith.constant 0 : i32
      %dma_wait3A_42 = tpu.memref_slice %arg5[%add3A, %dma_wait3A] : memref<32x10112xf32, #tpu.memory_space<hbm>> -> memref<1x10112xf32, #tpu.memory_space<hbm>>
      %dma_wait3A_43 = tpu.memref_squeeze %dma_wait3A_42 : memref<1x10112xf32, #tpu.memory_space<hbm>> -> memref<10112xf32, #tpu.memory_space<hbm>>
      %dma_wait3A_44 = arith.constant 0 : i32
      %dma_wait3A_45 = tpu.memref_slice %arg5[%add3A, %dma_wait3A_44] : memref<32x10112xf32, #tpu.memory_space<hbm>> -> memref<1x10112xf32, #tpu.memory_space<hbm>>
      %dma_wait3A_46 = tpu.memref_squeeze %dma_wait3A_45 : memref<1x10112xf32, #tpu.memory_space<hbm>> -> memref<10112xf32, #tpu.memory_space<hbm>>
      tpu.wait_dma2 semaphore(%run_scoped3A : memref<!tpu.dma_semaphore, #tpu.memory_space<semaphore_mem>>) src(%dma_wait3A_46 : memref<10112xf32, #tpu.memory_space<hbm>>) dst(%arg9 : memref<10112xf32, #tpu.memory_space<vmem>>)
      tpu.yield
    }) : () -> ()
    %scan3A = arith.constant 0 : i32
    %scan3A_1 = arith.constant 0 : i32
    %scan3A_2 = arith.constant 1024 : i32
    %scan3A_3 = arith.addi %scan3A_1, %scan3A_2 : i32
    %scan3A_4 = arith.constant 1 : i32
    %scan3A_5 = scf.for %scan3A_37 = %scan3A_1 to %scan3A_3 step %scan3A_4 iter_args(%scan3A_38 = %scan3A) -> (i32)  : i32 {
      %jit3A = arith.constant 8 : i32
      %div3A = arith.divsi %scan3A_37, %jit3A : i32
      %sign3A = arith.constant 0 : i32
      %sign3A_39 = arith.cmpi sgt, %scan3A_37, %sign3A : i32
      %sign3A_40 = arith.extui %sign3A_39 : i1 to i32
      %sign3A_41 = arith.constant 0 : i32
      %sign3A_42 = arith.cmpi slt, %scan3A_37, %sign3A_41 : i32
      %sign3A_43 = arith.extui %sign3A_42 : i1 to i32
      %sign3A_44 = arith.subi %sign3A_40, %sign3A_43 : i32
      %sign3A_45 = arith.constant 0 : i32
      %sign3A_46 = arith.cmpi sgt, %jit3A, %sign3A_45 : i32
      %sign3A_47 = arith.extui %sign3A_46 : i1 to i32
      %sign3A_48 = arith.constant 0 : i32
      %sign3A_49 = arith.cmpi slt, %jit3A, %sign3A_48 : i32
      %sign3A_50 = arith.extui %sign3A_49 : i1 to i32
      %sign3A_51 = arith.subi %sign3A_47, %sign3A_50 : i32
      %ne3A = arith.cmpi ne, %sign3A_44, %sign3A_51 : i32
      %rem3A = arith.remsi %scan3A_37, %jit3A : i32
      %ne3A_52 = arith.constant 0 : i32
      %ne3A_53 = arith.cmpi ne, %rem3A, %ne3A_52 : i32
      %and3A = arith.andi %ne3A, %ne3A_53 : i1
      %sub3A = arith.constant 1 : i32
      %sub3A_54 = arith.subi %div3A, %sub3A : i32
      %select_n3A = arith.select %and3A, %sub3A_54, %div3A : i32
      %jit3A_55 = arith.constant 8 : i32
      %eq3A = arith.constant 0 : i32
      %eq3A_56 = arith.cmpi eq, %jit3A_55, %eq3A : i32
      %jit3A_57 = arith.constant 1 : i32
      %select_n3A_58 = arith.select %eq3A_56, %jit3A_57, %jit3A_55 : i32
      %rem3A_59 = arith.remsi %scan3A_37, %select_n3A_58 : i32
      %ne3A_60 = arith.constant 0 : i32
      %ne3A_61 = arith.cmpi ne, %rem3A_59, %ne3A_60 : i32
      %lt3A = arith.constant 0 : i32
      %lt3A_62 = arith.cmpi slt, %rem3A_59, %lt3A : i32
      %lt3A_63 = arith.constant 0 : i32
      %lt3A_64 = arith.cmpi slt, %select_n3A_58, %lt3A_63 : i32
      %ne3A_65 = arith.xori %lt3A_62, %lt3A_64 : i1
      %and3A_66 = arith.andi %ne3A_65, %ne3A_61 : i1
      %add3A_67 = arith.addi %rem3A_59, %select_n3A_58 : i32
      %select_n3A_68 = arith.select %and3A_66, %add3A_67, %rem3A_59 : i32
      %mul3A_69 = arith.constant 16 : i32
      %mul3A_70 = arith.muli %select_n3A_68, %mul3A_69 : i32
      %broadcast_in_dim3A = arith.constant 0.000000e+00 : f32
      %broadcast_in_dim3A_71 = vector.broadcast %broadcast_in_dim3A : f32 to vector<16xf32>
      %multiple_of3A = tpu.assume_multiple %mul3A_70, 16 : i32
      %swap3A = arith.index_cast %select_n3A : i32 to index
      %swap3A_72 = arith.index_cast %multiple_of3A : i32 to index
      %swap3A_73 = tpu.vector_load %arg10[%swap3A, %swap3A_72] {strides = array<i32>} : memref<128x128xf32, #tpu.memory_space<vmem>>, vector<16xf32>,
      tpu.vector_store %arg10[%swap3A, %swap3A_72], %broadcast_in_dim3A_71 {strides = array<i32>} : memref<128x128xf32, #tpu.memory_space<vmem>>, vector<16xf32>,
      %scan3A_74 = arith.constant 0 : i32
      scf.yield %scan3A_74 : i32
    }
    %scan3A_6 = arith.constant 1024 : i32
    %mul3A_7 = arith.constant 640 : i32
    %mul3A_8 = arith.muli %arg1, %mul3A_7 : i32
    %add3A_9 = arith.constant 0 : i32
    %add3A_10 = arith.addi %mul3A_8, %add3A_9 : i32
    "tpu.region"() ({
      %run_scoped3A = tpu.sem_alloc : memref<!tpu.dma_semaphore, #tpu.memory_space<semaphore_mem>>
      %dma_start3A = arith.constant 0 : i32
      %dma_start3A_37 = tpu.memref_slice %arg11[%add3A_10, %dma_start3A] : memref<10240x128xf32, #tpu.memory_space<vmem_shared>> -> memref<128x128xf32, #tpu.memory_space<vmem_shared>>
      %dma_start3A_38 = arith.constant 0 : i32
      %dma_start3A_39 = tpu.memref_slice %arg11[%add3A_10, %dma_start3A_38] : memref<10240x128xf32, #tpu.memory_space<vmem_shared>> -> memref<128x128xf32, #tpu.memory_space<vmem_shared>>
      tpu.enqueue_dma source(%arg10 : memref<128x128xf32, #tpu.memory_space<vmem>>) target(%dma_start3A_39 : memref<128x128xf32, #tpu.memory_space<vmem_shared>>) target_semaphore(%run_scoped3A : memref<!tpu.dma_semaphore, #tpu.memory_space<semaphore_mem>>)
      %dma_wait3A = arith.constant 0 : i32
      %dma_wait3A_40 = tpu.memref_slice %arg11[%add3A_10, %dma_wait3A] : memref<10240x128xf32, #tpu.memory_space<vmem_shared>> -> memref<128x128xf32, #tpu.memory_space<vmem_shared>>
      %dma_wait3A_41 = arith.constant 0 : i32
      %dma_wait3A_42 = tpu.memref_slice %arg11[%add3A_10, %dma_wait3A_41] : memref<10240x128xf32, #tpu.memory_space<vmem_shared>> -> memref<128x128xf32, #tpu.memory_space<vmem_shared>>
      tpu.wait_dma2 semaphore(%run_scoped3A : memref<!tpu.dma_semaphore, #tpu.memory_space<semaphore_mem>>) src(%arg10 : memref<128x128xf32, #tpu.memory_space<vmem>>) dst(%dma_wait3A_42 : memref<128x128xf32, #tpu.memory_space<vmem_shared>>)
      tpu.yield
    }) : () -> ()
    %mul3A_11 = arith.constant 640 : i32
    %mul3A_12 = arith.muli %arg1, %mul3A_11 : i32
    %add3A_13 = arith.constant 128 : i32
    %add3A_14 = arith.addi %mul3A_12, %add3A_13 : i32
    "tpu.region"() ({
      %run_scoped3A = tpu.sem_alloc : memref<!tpu.dma_semaphore, #tpu.memory_space<semaphore_mem>>
      %dma_start3A = arith.constant 0 : i32
      %dma_start3A_37 = tpu.memref_slice %arg11[%add3A_14, %dma_start3A] : memref<10240x128xf32, #tpu.memory_space<vmem_shared>> -> memref<128x128xf32, #tpu.memory_space<vmem_shared>>
      %dma_start3A_38 = arith.constant 0 : i32
      %dma_start3A_39 = tpu.memref_slice %arg11[%add3A_14, %dma_start3A_38] : memref<10240x128xf32, #tpu.memory_space<vmem_shared>> -> memref<128x128xf32, #tpu.memory_space<vmem_shared>>
      tpu.enqueue_dma source(%arg10 : memref<128x128xf32, #tpu.memory_space<vmem>>) target(%dma_start3A_39 : memref<128x128xf32, #tpu.memory_space<vmem_shared>>) target_semaphore(%run_scoped3A : memref<!tpu.dma_semaphore, #tpu.memory_space<semaphore_mem>>)
      %dma_wait3A = arith.constant 0 : i32
      %dma_wait3A_40 = tpu.memref_slice %arg11[%add3A_14, %dma_wait3A] : memref<10240x128xf32, #tpu.memory_space<vmem_shared>> -> memref<128x128xf32, #tpu.memory_space<vmem_shared>>
      %dma_wait3A_41 = arith.constant 0 : i32
      %dma_wait3A_42 = tpu.memref_slice %arg11[%add3A_14, %dma_wait3A_41] : memref<10240x128xf32, #tpu.memory_space<vmem_shared>> -> memref<128x128xf32, #tpu.memory_space<vmem_shared>>
      tpu.wait_dma2 semaphore(%run_scoped3A : memref<!tpu.dma_semaphore, #tpu.memory_space<semaphore_mem>>) src(%arg10 : memref<128x128xf32, #tpu.memory_space<vmem>>) dst(%dma_wait3A_42 : memref<128x128xf32, #tpu.memory_space<vmem_shared>>)
      tpu.yield
    }) : () -> ()
    %mul3A_15 = arith.constant 640 : i32
    %mul3A_16 = arith.muli %arg1, %mul3A_15 : i32
    %add3A_17 = arith.constant 256 : i32
    %add3A_18 = arith.addi %mul3A_16, %add3A_17 : i32
    "tpu.region"() ({
      %run_scoped3A = tpu.sem_alloc : memref<!tpu.dma_semaphore, #tpu.memory_space<semaphore_mem>>
      %dma_start3A = arith.constant 0 : i32
      %dma_start3A_37 = tpu.memref_slice %arg11[%add3A_18, %dma_start3A] : memref<10240x128xf32, #tpu.memory_space<vmem_shared>> -> memref<128x128xf32, #tpu.memory_space<vmem_shared>>
      %dma_start3A_38 = arith.constant 0 : i32
      %dma_start3A_39 = tpu.memref_slice %arg11[%add3A_18, %dma_start3A_38] : memref<10240x128xf32, #tpu.memory_space<vmem_shared>> -> memref<128x128xf32, #tpu.memory_space<vmem_shared>>
      tpu.enqueue_dma source(%arg10 : memref<128x128xf32, #tpu.memory_space<vmem>>) target(%dma_start3A_39 : memref<128x128xf32, #tpu.memory_space<vmem_shared>>) target_semaphore(%run_scoped3A : memref<!tpu.dma_semaphore, #tpu.memory_space<semaphore_mem>>)
      %dma_wait3A = arith.constant 0 : i32
      %dma_wait3A_40 = tpu.memref_slice %arg11[%add3A_18, %dma_wait3A] : memref<10240x128xf32, #tpu.memory_space<vmem_shared>> -> memref<128x128xf32, #tpu.memory_space<vmem_shared>>
      %dma_wait3A_41 = arith.constant 0 : i32
      %dma_wait3A_42 = tpu.memref_slice %arg11[%add3A_18, %dma_wait3A_41] : memref<10240x128xf32, #tpu.memory_space<vmem_shared>> -> memref<128x128xf32, #tpu.memory_space<vmem_shared>>
      tpu.wait_dma2 semaphore(%run_scoped3A : memref<!tpu.dma_semaphore, #tpu.memory_space<semaphore_mem>>) src(%arg10 : memref<128x128xf32, #tpu.memory_space<vmem>>) dst(%dma_wait3A_42 : memref<128x128xf32, #tpu.memory_space<vmem_shared>>)
      tpu.yield
    }) : () -> ()
    %mul3A_19 = arith.constant 640 : i32
    %mul3A_20 = arith.muli %arg1, %mul3A_19 : i32
    %add3A_21 = arith.constant 384 : i32
    %add3A_22 = arith.addi %mul3A_20, %add3A_21 : i32
    "tpu.region"() ({
      %run_scoped3A = tpu.sem_alloc : memref<!tpu.dma_semaphore, #tpu.memory_space<semaphore_mem>>
      %dma_start3A = arith.constant 0 : i32
      %dma_start3A_37 = tpu.memref_slice %arg11[%add3A_22, %dma_start3A] : memref<10240x128xf32, #tpu.memory_space<vmem_shared>> -> memref<128x128xf32, #tpu.memory_space<vmem_shared>>
      %dma_start3A_38 = arith.constant 0 : i32
      %dma_start3A_39 = tpu.memref_slice %arg11[%add3A_22, %dma_start3A_38] : memref<10240x128xf32, #tpu.memory_space<vmem_shared>> -> memref<128x128xf32, #tpu.memory_space<vmem_shared>>
      tpu.enqueue_dma source(%arg10 : memref<128x128xf32, #tpu.memory_space<vmem>>) target(%dma_start3A_39 : memref<128x128xf32, #tpu.memory_space<vmem_shared>>) target_semaphore(%run_scoped3A : memref<!tpu.dma_semaphore, #tpu.memory_space<semaphore_mem>>)
      %dma_wait3A = arith.constant 0 : i32
      %dma_wait3A_40 = tpu.memref_slice %arg11[%add3A_22, %dma_wait3A] : memref<10240x128xf32, #tpu.memory_space<vmem_shared>> -> memref<128x128xf32, #tpu.memory_space<vmem_shared>>
      %dma_wait3A_41 = arith.constant 0 : i32
      %dma_wait3A_42 = tpu.memref_slice %arg11[%add3A_22, %dma_wait3A_41] : memref<10240x128xf32, #tpu.memory_space<vmem_shared>> -> memref<128x128xf32, #tpu.memory_space<vmem_shared>>
      tpu.wait_dma2 semaphore(%run_scoped3A : memref<!tpu.dma_semaphore, #tpu.memory_space<semaphore_mem>>) src(%arg10 : memref<128x128xf32, #tpu.memory_space<vmem>>) dst(%dma_wait3A_42 : memref<128x128xf32, #tpu.memory_space<vmem_shared>>)
      tpu.yield
    }) : () -> ()
    %mul3A_23 = arith.constant 640 : i32
    %mul3A_24 = arith.muli %arg1, %mul3A_23 : i32
    %add3A_25 = arith.constant 512 : i32
    %add3A_26 = arith.addi %mul3A_24, %add3A_25 : i32
    "tpu.region"() ({
      %run_scoped3A = tpu.sem_alloc : memref<!tpu.dma_semaphore, #tpu.memory_space<semaphore_mem>>
      %dma_start3A = arith.constant 0 : i32
      %dma_start3A_37 = tpu.memref_slice %arg11[%add3A_26, %dma_start3A] : memref<10240x128xf32, #tpu.memory_space<vmem_shared>> -> memref<128x128xf32, #tpu.memory_space<vmem_shared>>
      %dma_start3A_38 = arith.constant 0 : i32
      %dma_start3A_39 = tpu.memref_slice %arg11[%add3A_26, %dma_start3A_38] : memref<10240x128xf32, #tpu.memory_space<vmem_shared>> -> memref<128x128xf32, #tpu.memory_space<vmem_shared>>
      tpu.enqueue_dma source(%arg10 : memref<128x128xf32, #tpu.memory_space<vmem>>) target(%dma_start3A_39 : memref<128x128xf32, #tpu.memory_space<vmem_shared>>) target_semaphore(%run_scoped3A : memref<!tpu.dma_semaphore, #tpu.memory_space<semaphore_mem>>)
      %dma_wait3A = arith.constant 0 : i32
      %dma_wait3A_40 = tpu.memref_slice %arg11[%add3A_26, %dma_wait3A] : memref<10240x128xf32, #tpu.memory_space<vmem_shared>> -> memref<128x128xf32, #tpu.memory_space<vmem_shared>>
      %dma_wait3A_41 = arith.constant 0 : i32
      %dma_wait3A_42 = tpu.memref_slice %arg11[%add3A_26, %dma_wait3A_41] : memref<10240x128xf32, #tpu.memory_space<vmem_shared>> -> memref<128x128xf32, #tpu.memory_space<vmem_shared>>
      tpu.wait_dma2 semaphore(%run_scoped3A : memref<!tpu.dma_semaphore, #tpu.memory_space<semaphore_mem>>) src(%arg10 : memref<128x128xf32, #tpu.memory_space<vmem>>) dst(%dma_wait3A_42 : memref<128x128xf32, #tpu.memory_space<vmem_shared>>)
      tpu.yield
    }) : () -> ()
    %barrier3A = arith.constant 0 : index
    tpu.barrier barrier_id(%barrier3A)
    %scan3A_27 = arith.constant 0 : i32
    %scan3A_28 = arith.constant 0 : i32
    %scan3A_29 = arith.constant 79 : i32
    %scan3A_30 = arith.addi %scan3A_28, %scan3A_29 : i32
    %scan3A_31 = arith.constant 1 : i32
    %scan3A_32 = scf.for %scan3A_37 = %scan3A_28 to %scan3A_30 step %scan3A_31 iter_args(%scan3A_38 = %scan3A_27) -> (i32)  : i32 {
      "tpu.region"() ({
        %run_scoped3A = tpu.sem_alloc : memref<!tpu.dma_semaphore, #tpu.memory_space<semaphore_mem>>
        %dma_start3A = arith.constant 0 : i32
        %dma_start3A_47 = tpu.memref_slice %arg7[%scan3A_37, %dma_start3A] : memref<79x128xi32, #tpu.memory_space<vmem>> -> memref<1x128xi32, #tpu.memory_space<vmem>>
        %dma_start3A_48 = tpu.memref_squeeze %dma_start3A_47 : memref<1x128xi32, #tpu.memory_space<vmem>> -> memref<128xi32, #tpu.memory_space<vmem>>
        %dma_start3A_49 = arith.constant 0 : i32
        %dma_start3A_50 = arith.constant 0 : i32
        %dma_start3A_51 = tpu.memref_slice %arg2[%dma_start3A_49, %dma_start3A_50] : memref<10240x128xf32, #tpu.memory_space<hbm>> -> memref<10240x128xf32, #tpu.memory_space<hbm>>
        tpu.enqueue_indirect_dma source(%dma_start3A_51 : memref<10240x128xf32, #tpu.memory_space<hbm>>) target(%arg10 : memref<128x128xf32, #tpu.memory_space<vmem>>) offsets(%dma_start3A_48 : memref<128xi32, #tpu.memory_space<vmem>>) semaphore(%run_scoped3A : memref<!tpu.dma_semaphore, #tpu.memory_space<semaphore_mem>>)
        %dma_wait3A = arith.constant 0 : i32
        %dma_wait3A_52 = tpu.memref_slice %arg7[%scan3A_37, %dma_wait3A] : memref<79x128xi32, #tpu.memory_space<vmem>> -> memref<1x128xi32, #tpu.memory_space<vmem>>
        %dma_wait3A_53 = tpu.memref_squeeze %dma_wait3A_52 : memref<1x128xi32, #tpu.memory_space<vmem>> -> memref<128xi32, #tpu.memory_space<vmem>>
        %dma_wait3A_54 = arith.constant 0 : i32
        %dma_wait3A_55 = arith.constant 0 : i32
        %dma_wait3A_56 = tpu.memref_slice %arg2[%dma_wait3A_54, %dma_wait3A_55] : memref<10240x128xf32, #tpu.memory_space<hbm>> -> memref<10240x128xf32, #tpu.memory_space<hbm>>
        tpu.wait_indirect_dma semaphore(%run_scoped3A : memref<!tpu.dma_semaphore, #tpu.memory_space<semaphore_mem>>) src(%dma_wait3A_56 : memref<10240x128xf32, #tpu.memory_space<hbm>>) dst(%arg10 : memref<128x128xf32, #tpu.memory_space<vmem>>)
        tpu.yield
      }) : () -> ()
      %scan3A_39 = arith.constant 0 : i32
      %scan3A_40 = arith.constant 0 : i32
      %scan3A_41 = arith.constant 128 : i32
      %scan3A_42 = arith.addi %scan3A_40, %scan3A_41 : i32
      %scan3A_43 = arith.constant 1 : i32
      %scan3A_44 = scf.for %scan3A_47 = %scan3A_40 to %scan3A_42 step %scan3A_43 iter_args(%scan3A_48 = %scan3A_39) -> (i32)  : i32 {
        %mul3A_49 = arith.constant 128 : i32
        %mul3A_50 = arith.muli %scan3A_37, %mul3A_49 : i32
        %add3A_51 = arith.addi %mul3A_50, %scan3A_47 : i32
        %broadcast_in_dim3A = vector.broadcast %add3A_51 : i32 to vector<16xi32>
        %gather3A = tpu.vector_load_idx %arg9[%broadcast_in_dim3A] : memref<10112xf32, #tpu.memory_space<vmem>>[vector<16xi32>], vector<16xf32>,
        %get3A = arith.index_cast %scan3A_47 : i32 to index
        %get3A_52 = arith.constant 0 : index
        %get3A_53 = tpu.vector_load %arg10[%get3A, %get3A_52] {strides = array<i32>} : memref<128x128xf32, #tpu.memory_space<vmem>>, vector<16xf32>,
        %mul3A_54 = arith.mulf %get3A_53, %gather3A : vector<16xf32>
        %swap3A = arith.index_cast %scan3A_47 : i32 to index
        %swap3A_55 = arith.constant 0 : index
        %swap3A_56 = tpu.vector_load %arg10[%swap3A, %swap3A_55] {strides = array<i32>} : memref<128x128xf32, #tpu.memory_space<vmem>>, vector<16xf32>,
        tpu.vector_store %arg10[%swap3A, %swap3A_55], %mul3A_54 {strides = array<i32>} : memref<128x128xf32, #tpu.memory_space<vmem>>, vector<16xf32>,
        %get3A_57 = arith.index_cast %scan3A_47 : i32 to index
        %get3A_58 = arith.constant 16 : index
        %get3A_59 = tpu.vector_load %arg10[%get3A_57, %get3A_58] {strides = array<i32>} : memref<128x128xf32, #tpu.memory_space<vmem>>, vector<16xf32>,
        %mul3A_60 = arith.mulf %get3A_59, %gather3A : vector<16xf32>
        %swap3A_61 = arith.index_cast %scan3A_47 : i32 to index
        %swap3A_62 = arith.constant 16 : index
        %swap3A_63 = tpu.vector_load %arg10[%swap3A_61, %swap3A_62] {strides = array<i32>} : memref<128x128xf32, #tpu.memory_space<vmem>>, vector<16xf32>,
        tpu.vector_store %arg10[%swap3A_61, %swap3A_62], %mul3A_60 {strides = array<i32>} : memref<128x128xf32, #tpu.memory_space<vmem>>, vector<16xf32>,
        %get3A_64 = arith.index_cast %scan3A_47 : i32 to index
        %get3A_65 = arith.constant 32 : index
        %get3A_66 = tpu.vector_load %arg10[%get3A_64, %get3A_65] {strides = array<i32>} : memref<128x128xf32, #tpu.memory_space<vmem>>, vector<16xf32>,
        %mul3A_67 = arith.mulf %get3A_66, %gather3A : vector<16xf32>
        %swap3A_68 = arith.index_cast %scan3A_47 : i32 to index
        %swap3A_69 = arith.constant 32 : index
        %swap3A_70 = tpu.vector_load %arg10[%swap3A_68, %swap3A_69] {strides = array<i32>} : memref<128x128xf32, #tpu.memory_space<vmem>>, vector<16xf32>,
        tpu.vector_store %arg10[%swap3A_68, %swap3A_69], %mul3A_67 {strides = array<i32>} : memref<128x128xf32, #tpu.memory_space<vmem>>, vector<16xf32>,
        %get3A_71 = arith.index_cast %scan3A_47 : i32 to index
        %get3A_72 = arith.constant 48 : index
        %get3A_73 = tpu.vector_load %arg10[%get3A_71, %get3A_72] {strides = array<i32>} : memref<128x128xf32, #tpu.memory_space<vmem>>, vector<16xf32>,
        %mul3A_74 = arith.mulf %get3A_73, %gather3A : vector<16xf32>
        %swap3A_75 = arith.index_cast %scan3A_47 : i32 to index
        %swap3A_76 = arith.constant 48 : index
        %swap3A_77 = tpu.vector_load %arg10[%swap3A_75, %swap3A_76] {strides = array<i32>} : memref<128x128xf32, #tpu.memory_space<vmem>>, vector<16xf32>,
        tpu.vector_store %arg10[%swap3A_75, %swap3A_76], %mul3A_74 {strides = array<i32>} : memref<128x128xf32, #tpu.memory_space<vmem>>, vector<16xf32>,
        %get3A_78 = arith.index_cast %scan3A_47 : i32 to index
        %get3A_79 = arith.constant 64 : index
        %get3A_80 = tpu.vector_load %arg10[%get3A_78, %get3A_79] {strides = array<i32>} : memref<128x128xf32, #tpu.memory_space<vmem>>, vector<16xf32>,
        %mul3A_81 = arith.mulf %get3A_80, %gather3A : vector<16xf32>
        %swap3A_82 = arith.index_cast %scan3A_47 : i32 to index
        %swap3A_83 = arith.constant 64 : index
        %swap3A_84 = tpu.vector_load %arg10[%swap3A_82, %swap3A_83] {strides = array<i32>} : memref<128x128xf32, #tpu.memory_space<vmem>>, vector<16xf32>,
        tpu.vector_store %arg10[%swap3A_82, %swap3A_83], %mul3A_81 {strides = array<i32>} : memref<128x128xf32, #tpu.memory_space<vmem>>, vector<16xf32>,
        %get3A_85 = arith.index_cast %scan3A_47 : i32 to index
        %get3A_86 = arith.constant 80 : index
        %get3A_87 = tpu.vector_load %arg10[%get3A_85, %get3A_86] {strides = array<i32>} : memref<128x128xf32, #tpu.memory_space<vmem>>, vector<16xf32>,
        %mul3A_88 = arith.mulf %get3A_87, %gather3A : vector<16xf32>
        %swap3A_89 = arith.index_cast %scan3A_47 : i32 to index
        %swap3A_90 = arith.constant 80 : index
        %swap3A_91 = tpu.vector_load %arg10[%swap3A_89, %swap3A_90] {strides = array<i32>} : memref<128x128xf32, #tpu.memory_space<vmem>>, vector<16xf32>,
        tpu.vector_store %arg10[%swap3A_89, %swap3A_90], %mul3A_88 {strides = array<i32>} : memref<128x128xf32, #tpu.memory_space<vmem>>, vector<16xf32>,
        %get3A_92 = arith.index_cast %scan3A_47 : i32 to index
        %get3A_93 = arith.constant 96 : index
        %get3A_94 = tpu.vector_load %arg10[%get3A_92, %get3A_93] {strides = array<i32>} : memref<128x128xf32, #tpu.memory_space<vmem>>, vector<16xf32>,
        %mul3A_95 = arith.mulf %get3A_94, %gather3A : vector<16xf32>
        %swap3A_96 = arith.index_cast %scan3A_47 : i32 to index
        %swap3A_97 = arith.constant 96 : index
        %swap3A_98 = tpu.vector_load %arg10[%swap3A_96, %swap3A_97] {strides = array<i32>} : memref<128x128xf32, #tpu.memory_space<vmem>>, vector<16xf32>,
        tpu.vector_store %arg10[%swap3A_96, %swap3A_97], %mul3A_95 {strides = array<i32>} : memref<128x128xf32, #tpu.memory_space<vmem>>, vector<16xf32>,
        %get3A_99 = arith.index_cast %scan3A_47 : i32 to index
        %get3A_100 = arith.constant 112 : index
        %get3A_101 = tpu.vector_load %arg10[%get3A_99, %get3A_100] {strides = array<i32>} : memref<128x128xf32, #tpu.memory_space<vmem>>, vector<16xf32>,
        %mul3A_102 = arith.mulf %get3A_101, %gather3A : vector<16xf32>
        %swap3A_103 = arith.index_cast %scan3A_47 : i32 to index
        %swap3A_104 = arith.constant 112 : index
        %swap3A_105 = tpu.vector_load %arg10[%swap3A_103, %swap3A_104] {strides = array<i32>} : memref<128x128xf32, #tpu.memory_space<vmem>>, vector<16xf32>,
        tpu.vector_store %arg10[%swap3A_103, %swap3A_104], %mul3A_102 {strides = array<i32>} : memref<128x128xf32, #tpu.memory_space<vmem>>, vector<16xf32>,
        %scan3A_106 = arith.constant 0 : i32
        scf.yield %scan3A_106 : i32
      }
      %scan3A_45 = arith.constant 128 : i32
      "tpu.region"() ({
        %run_scoped3A = tpu.sem_alloc : memref<!tpu.dma_semaphore, #tpu.memory_space<semaphore_mem>>
        %dma_start3A = arith.constant 0 : i32
        %dma_start3A_47 = tpu.memref_slice %arg8[%scan3A_37, %dma_start3A] : memref<79x128xi32, #tpu.memory_space<vmem>> -> memref<1x128xi32, #tpu.memory_space<vmem>>
        %dma_start3A_48 = tpu.memref_squeeze %dma_start3A_47 : memref<1x128xi32, #tpu.memory_space<vmem>> -> memref<128xi32, #tpu.memory_space<vmem>>
        %dma_start3A_49 = arith.constant 0 : i32
        %dma_start3A_50 = arith.constant 0 : i32
        %dma_start3A_51 = tpu.memref_slice %arg11[%dma_start3A_49, %dma_start3A_50] : memref<10240x128xf32, #tpu.memory_space<vmem_shared>> -> memref<10240x128xf32, #tpu.memory_space<vmem_shared>>
        tpu.enqueue_indirect_dma source(%arg10 : memref<128x128xf32, #tpu.memory_space<vmem>>) target(%dma_start3A_51 : memref<10240x128xf32, #tpu.memory_space<vmem_shared>>) offsets(%dma_start3A_48 : memref<128xi32, #tpu.memory_space<vmem>>) semaphore(%run_scoped3A : memref<!tpu.dma_semaphore, #tpu.memory_space<semaphore_mem>>) {add = true}
        %dma_wait3A = arith.constant 0 : i32
        %dma_wait3A_52 = tpu.memref_slice %arg8[%scan3A_37, %dma_wait3A] : memref<79x128xi32, #tpu.memory_space<vmem>> -> memref<1x128xi32, #tpu.memory_space<vmem>>
        %dma_wait3A_53 = tpu.memref_squeeze %dma_wait3A_52 : memref<1x128xi32, #tpu.memory_space<vmem>> -> memref<128xi32, #tpu.memory_space<vmem>>
        %dma_wait3A_54 = arith.constant 0 : i32
        %dma_wait3A_55 = arith.constant 0 : i32
        %dma_wait3A_56 = tpu.memref_slice %arg11[%dma_wait3A_54, %dma_wait3A_55] : memref<10240x128xf32, #tpu.memory_space<vmem_shared>> -> memref<10240x128xf32, #tpu.memory_space<vmem_shared>>
        tpu.wait_indirect_dma semaphore(%run_scoped3A : memref<!tpu.dma_semaphore, #tpu.memory_space<semaphore_mem>>) src(%arg10 : memref<128x128xf32, #tpu.memory_space<vmem>>) dst(%dma_wait3A_56 : memref<10240x128xf32, #tpu.memory_space<vmem_shared>>)
        tpu.yield
      }) : () -> ()
      %scan3A_46 = arith.constant 0 : i32
      scf.yield %scan3A_46 : i32
    }
    %scan3A_33 = arith.constant 79 : i32
    %barrier3A_34 = arith.constant 0 : index
    tpu.barrier barrier_id(%barrier3A_34)
    %mul3A_35 = arith.constant 640 : i32
    %mul3A_36 = arith.muli %arg1, %mul3A_35 : i32
    "tpu.region"() ({
      %run_scoped3A = tpu.sem_alloc : memref<!tpu.dma_semaphore, #tpu.memory_space<semaphore_mem>>
      %dma_start3A = arith.constant 0 : i32
      %dma_start3A_37 = tpu.memref_slice %arg6[%arg0, %mul3A_36, %dma_start3A] : memref<2x10240x128xf32, #tpu.memory_space<hbm>> -> memref<1x640x128xf32, #tpu.memory_space<hbm>>
      %dma_start3A_38 = tpu.memref_squeeze %dma_start3A_37 : memref<1x640x128xf32, #tpu.memory_space<hbm>> -> memref<640x128xf32, #tpu.memory_space<hbm>>
      %dma_start3A_39 = arith.constant 0 : i32
      %dma_start3A_40 = tpu.memref_slice %arg11[%mul3A_36, %dma_start3A_39] : memref<10240x128xf32, #tpu.memory_space<vmem_shared>> -> memref<640x128xf32, #tpu.memory_space<vmem_shared>>
      tpu.enqueue_dma source(%dma_start3A_40 : memref<640x128xf32, #tpu.memory_space<vmem_shared>>) target(%dma_start3A_38 : memref<640x128xf32, #tpu.memory_space<hbm>>) target_semaphore(%run_scoped3A : memref<!tpu.dma_semaphore, #tpu.memory_space<semaphore_mem>>)
      %dma_wait3A = arith.constant 0 : i32
      %dma_wait3A_41 = tpu.memref_slice %arg6[%arg0, %mul3A_36, %dma_wait3A] : memref<2x10240x128xf32, #tpu.memory_space<hbm>> -> memref<1x640x128xf32, #tpu.memory_space<hbm>>
      %dma_wait3A_42 = tpu.memref_squeeze %dma_wait3A_41 : memref<1x640x128xf32, #tpu.memory_space<hbm>> -> memref<640x128xf32, #tpu.memory_space<hbm>>
      %dma_wait3A_43 = arith.constant 0 : i32
      %dma_wait3A_44 = tpu.memref_slice %arg11[%mul3A_36, %dma_wait3A_43] : memref<10240x128xf32, #tpu.memory_space<vmem_shared>> -> memref<640x128xf32, #tpu.memory_space<vmem_shared>>
      tpu.wait_dma2 semaphore(%run_scoped3A : memref<!tpu.dma_semaphore, #tpu.memory_space<semaphore_mem>>) src(%dma_wait3A_44 : memref<640x128xf32, #tpu.memory_space<vmem_shared>>) dst(%dma_wait3A_42 : memref<640x128xf32, #tpu.memory_space<hbm>>)
      tpu.yield
    }) : () -> ()
    return
  }
}

#map = affine_map<(d0, d1) -> (0, 0)>
module attributes {stable_mosaic.version = 14 : i64} {
  func.func @_deg_kernel(%arg0: i32, %arg1: i32, %arg2: memref<32x10112xi32, #tpu.memory_space<hbm>>, %arg3: memref<32x10112xf32, #tpu.memory_space<hbm>>, %arg4: memref<32x10240xf32, #tpu.memory_space<hbm>>, %arg5: memref<10112xi32, #tpu.memory_space<vmem>>, %arg6: memref<10112xf32, #tpu.memory_space<vmem>>, %arg7: memref<10240xf32, #tpu.memory_space<vmem>>) attributes {dimension_semantics = [#tpu.dimension_semantics<core_parallel>, #tpu.dimension_semantics<subcore_parallel>], iteration_bounds = array<i64: 2, 16>, scalar_prefetch = 0 : i64, scratch_operands = 3 : i64, tpu.core_type = #tpu.core_type<sc_vector_subcore>, window_params = [{transform_indices = #map}, {transform_indices = #map}, {transform_indices = #map}]} {
    %mul3A = arith.constant 2 : i32
    %mul3A_0 = arith.muli %arg1, %mul3A : i32
    %add3A = arith.addi %mul3A_0, %arg0 : i32
    "tpu.region"() ({
      %run_scoped3A = tpu.sem_alloc : memref<!tpu.dma_semaphore, #tpu.memory_space<semaphore_mem>>
      %dma_start3A = arith.constant 0 : i32
      %dma_start3A_14 = tpu.memref_slice %arg2[%add3A, %dma_start3A] : memref<32x10112xi32, #tpu.memory_space<hbm>> -> memref<1x10112xi32, #tpu.memory_space<hbm>>
      %dma_start3A_15 = tpu.memref_squeeze %dma_start3A_14 : memref<1x10112xi32, #tpu.memory_space<hbm>> -> memref<10112xi32, #tpu.memory_space<hbm>>
      %dma_start3A_16 = arith.constant 0 : i32
      %dma_start3A_17 = tpu.memref_slice %arg2[%add3A, %dma_start3A_16] : memref<32x10112xi32, #tpu.memory_space<hbm>> -> memref<1x10112xi32, #tpu.memory_space<hbm>>
      %dma_start3A_18 = tpu.memref_squeeze %dma_start3A_17 : memref<1x10112xi32, #tpu.memory_space<hbm>> -> memref<10112xi32, #tpu.memory_space<hbm>>
      tpu.enqueue_dma source(%dma_start3A_18 : memref<10112xi32, #tpu.memory_space<hbm>>) target(%arg5 : memref<10112xi32, #tpu.memory_space<vmem>>) target_semaphore(%run_scoped3A : memref<!tpu.dma_semaphore, #tpu.memory_space<semaphore_mem>>)
      %dma_wait3A = arith.constant 0 : i32
      %dma_wait3A_19 = tpu.memref_slice %arg2[%add3A, %dma_wait3A] : memref<32x10112xi32, #tpu.memory_space<hbm>> -> memref<1x10112xi32, #tpu.memory_space<hbm>>
      %dma_wait3A_20 = tpu.memref_squeeze %dma_wait3A_19 : memref<1x10112xi32, #tpu.memory_space<hbm>> -> memref<10112xi32, #tpu.memory_space<hbm>>
      %dma_wait3A_21 = arith.constant 0 : i32
      %dma_wait3A_22 = tpu.memref_slice %arg2[%add3A, %dma_wait3A_21] : memref<32x10112xi32, #tpu.memory_space<hbm>> -> memref<1x10112xi32, #tpu.memory_space<hbm>>
      %dma_wait3A_23 = tpu.memref_squeeze %dma_wait3A_22 : memref<1x10112xi32, #tpu.memory_space<hbm>> -> memref<10112xi32, #tpu.memory_space<hbm>>
      tpu.wait_dma2 semaphore(%run_scoped3A : memref<!tpu.dma_semaphore, #tpu.memory_space<semaphore_mem>>) src(%dma_wait3A_23 : memref<10112xi32, #tpu.memory_space<hbm>>) dst(%arg5 : memref<10112xi32, #tpu.memory_space<vmem>>)
      tpu.yield
    }) : () -> ()
    "tpu.region"() ({
      %run_scoped3A = tpu.sem_alloc : memref<!tpu.dma_semaphore, #tpu.memory_space<semaphore_mem>>
      %dma_start3A = arith.constant 0 : i32
      %dma_start3A_14 = tpu.memref_slice %arg3[%add3A, %dma_start3A] : memref<32x10112xf32, #tpu.memory_space<hbm>> -> memref<1x10112xf32, #tpu.memory_space<hbm>>
      %dma_start3A_15 = tpu.memref_squeeze %dma_start3A_14 : memref<1x10112xf32, #tpu.memory_space<hbm>> -> memref<10112xf32, #tpu.memory_space<hbm>>
      %dma_start3A_16 = arith.constant 0 : i32
      %dma_start3A_17 = tpu.memref_slice %arg3[%add3A, %dma_start3A_16] : memref<32x10112xf32, #tpu.memory_space<hbm>> -> memref<1x10112xf32, #tpu.memory_space<hbm>>
      %dma_start3A_18 = tpu.memref_squeeze %dma_start3A_17 : memref<1x10112xf32, #tpu.memory_space<hbm>> -> memref<10112xf32, #tpu.memory_space<hbm>>
      tpu.enqueue_dma source(%dma_start3A_18 : memref<10112xf32, #tpu.memory_space<hbm>>) target(%arg6 : memref<10112xf32, #tpu.memory_space<vmem>>) target_semaphore(%run_scoped3A : memref<!tpu.dma_semaphore, #tpu.memory_space<semaphore_mem>>)
      %dma_wait3A = arith.constant 0 : i32
      %dma_wait3A_19 = tpu.memref_slice %arg3[%add3A, %dma_wait3A] : memref<32x10112xf32, #tpu.memory_space<hbm>> -> memref<1x10112xf32, #tpu.memory_space<hbm>>
      %dma_wait3A_20 = tpu.memref_squeeze %dma_wait3A_19 : memref<1x10112xf32, #tpu.memory_space<hbm>> -> memref<10112xf32, #tpu.memory_space<hbm>>
      %dma_wait3A_21 = arith.constant 0 : i32
      %dma_wait3A_22 = tpu.memref_slice %arg3[%add3A, %dma_wait3A_21] : memref<32x10112xf32, #tpu.memory_space<hbm>> -> memref<1x10112xf32, #tpu.memory_space<hbm>>
      %dma_wait3A_23 = tpu.memref_squeeze %dma_wait3A_22 : memref<1x10112xf32, #tpu.memory_space<hbm>> -> memref<10112xf32, #tpu.memory_space<hbm>>
      tpu.wait_dma2 semaphore(%run_scoped3A : memref<!tpu.dma_semaphore, #tpu.memory_space<semaphore_mem>>) src(%dma_wait3A_23 : memref<10112xf32, #tpu.memory_space<hbm>>) dst(%arg6 : memref<10112xf32, #tpu.memory_space<vmem>>)
      tpu.yield
    }) : () -> ()
    %scan3A = arith.constant 0 : i32
    %scan3A_1 = arith.constant 0 : i32
    %scan3A_2 = arith.constant 640 : i32
    %scan3A_3 = arith.addi %scan3A_1, %scan3A_2 : i32
    %scan3A_4 = arith.constant 1 : i32
    %scan3A_5 = scf.for %scan3A_14 = %scan3A_1 to %scan3A_3 step %scan3A_4 iter_args(%scan3A_15 = %scan3A) -> (i32)  : i32 {
      %broadcast_in_dim3A = arith.constant 0.000000e+00 : f32
      %broadcast_in_dim3A_16 = vector.broadcast %broadcast_in_dim3A : f32 to vector<16xf32>
      %mul3A_17 = arith.constant 16 : i32
      %mul3A_18 = arith.muli %scan3A_14, %mul3A_17 : i32
      %multiple_of3A = tpu.assume_multiple %mul3A_18, 16 : i32
      %swap3A = arith.index_cast %multiple_of3A : i32 to index
      %swap3A_19 = tpu.vector_load %arg7[%swap3A] {strides = array<i32>} : memref<10240xf32, #tpu.memory_space<vmem>>, vector<16xf32>,
      tpu.vector_store %arg7[%swap3A], %broadcast_in_dim3A_16 {strides = array<i32>} : memref<10240xf32, #tpu.memory_space<vmem>>, vector<16xf32>,
      %scan3A_20 = arith.constant 0 : i32
      scf.yield %scan3A_20 : i32
    }
    %scan3A_6 = arith.constant 640 : i32
    %scan3A_7 = arith.constant 0 : i32
    %scan3A_8 = arith.constant 0 : i32
    %scan3A_9 = arith.constant 632 : i32
    %scan3A_10 = arith.addi %scan3A_8, %scan3A_9 : i32
    %scan3A_11 = arith.constant 1 : i32
    %scan3A_12 = scf.for %scan3A_14 = %scan3A_8 to %scan3A_10 step %scan3A_11 iter_args(%scan3A_15 = %scan3A_7) -> (i32)  : i32 {
      %mul3A_16 = arith.constant 16 : i32
      %mul3A_17 = arith.muli %scan3A_14, %mul3A_16 : i32
      %multiple_of3A = tpu.assume_multiple %mul3A_17, 16 : i32
      %get3A = arith.index_cast %multiple_of3A : i32 to index
      %get3A_18 = tpu.vector_load %arg5[%get3A] {strides = array<i32>} : memref<10112xi32, #tpu.memory_space<vmem>>, vector<16xi32>,
      %get3A_19 = arith.index_cast %multiple_of3A : i32 to index
      %get3A_20 = tpu.vector_load %arg6[%get3A_19] {strides = array<i32>} : memref<10112xf32, #tpu.memory_space<vmem>>, vector<16xf32>,
      tpu.vector_store_idx %arg7[%get3A_18], %get3A_20 {add = true} : memref<10240xf32, #tpu.memory_space<vmem>>[vector<16xi32>], vector<16xf32>,
      %scan3A_21 = arith.constant 0 : i32
      scf.yield %scan3A_21 : i32
    }
    %scan3A_13 = arith.constant 632 : i32
    "tpu.region"() ({
      %run_scoped3A = tpu.sem_alloc : memref<!tpu.dma_semaphore, #tpu.memory_space<semaphore_mem>>
      %dma_start3A = arith.constant 0 : i32
      %dma_start3A_14 = tpu.memref_slice %arg4[%add3A, %dma_start3A] : memref<32x10240xf32, #tpu.memory_space<hbm>> -> memref<1x10240xf32, #tpu.memory_space<hbm>>
      %dma_start3A_15 = tpu.memref_squeeze %dma_start3A_14 : memref<1x10240xf32, #tpu.memory_space<hbm>> -> memref<10240xf32, #tpu.memory_space<hbm>>
      %dma_start3A_16 = arith.constant 0 : i32
      %dma_start3A_17 = tpu.memref_slice %arg4[%add3A, %dma_start3A_16] : memref<32x10240xf32, #tpu.memory_space<hbm>> -> memref<1x10240xf32, #tpu.memory_space<hbm>>
      %dma_start3A_18 = tpu.memref_squeeze %dma_start3A_17 : memref<1x10240xf32, #tpu.memory_space<hbm>> -> memref<10240xf32, #tpu.memory_space<hbm>>
      tpu.enqueue_dma source(%arg7 : memref<10240xf32, #tpu.memory_space<vmem>>) target(%dma_start3A_18 : memref<10240xf32, #tpu.memory_space<hbm>>) target_semaphore(%run_scoped3A : memref<!tpu.dma_semaphore, #tpu.memory_space<semaphore_mem>>)
      %dma_wait3A = arith.constant 0 : i32
      %dma_wait3A_19 = tpu.memref_slice %arg4[%add3A, %dma_wait3A] : memref<32x10240xf32, #tpu.memory_space<hbm>> -> memref<1x10240xf32, #tpu.memory_space<hbm>>
      %dma_wait3A_20 = tpu.memref_squeeze %dma_wait3A_19 : memref<1x10240xf32, #tpu.memory_space<hbm>> -> memref<10240xf32, #tpu.memory_space<hbm>>
      %dma_wait3A_21 = arith.constant 0 : i32
      %dma_wait3A_22 = tpu.memref_slice %arg4[%add3A, %dma_wait3A_21] : memref<32x10240xf32, #tpu.memory_space<hbm>> -> memref<1x10240xf32, #tpu.memory_space<hbm>>
      %dma_wait3A_23 = tpu.memref_squeeze %dma_wait3A_22 : memref<1x10240xf32, #tpu.memory_space<hbm>> -> memref<10240xf32, #tpu.memory_space<hbm>>
      tpu.wait_dma2 semaphore(%run_scoped3A : memref<!tpu.dma_semaphore, #tpu.memory_space<semaphore_mem>>) src(%arg7 : memref<10240xf32, #tpu.memory_space<vmem>>) dst(%dma_wait3A_23 : memref<10240xf32, #tpu.memory_space<hbm>>)
      tpu.yield
    }) : () -> ()
    return
  }
}

#map = affine_map<(d0, d1) -> (0, 0)>
#map1 = affine_map<(d0, d1) -> (0, 0, 0)>
module attributes {stable_mosaic.version = 14 : i64} {
  func.func @_gs_kernel(%arg0: i32, %arg1: i32, %arg2: memref<10240x128xf32, #tpu.memory_space<hbm>>, %arg3: memref<32x79x128xi32, #tpu.memory_space<hbm>>, %arg4: memref<32x79x128xi32, #tpu.memory_space<hbm>>, %arg5: memref<32x10112xf32, #tpu.memory_space<hbm>>, %arg6: memref<2x10240x128xf32, #tpu.memory_space<hbm>>, %arg7: memref<79x128xi32, #tpu.memory_space<vmem>>, %arg8: memref<79x128xi32, #tpu.memory_space<vmem>>, %arg9: memref<10112xf32, #tpu.memory_space<vmem>>, %arg10: memref<128x128xf32, #tpu.memory_space<vmem>>, %arg11: memref<10240x128xf32, #tpu.memory_space<vmem_shared>>) attributes {dimension_semantics = [#tpu.dimension_semantics<core_parallel>, #tpu.dimension_semantics<subcore_parallel>], iteration_bounds = array<i64: 2, 16>, scalar_prefetch = 0 : i64, scratch_operands = 5 : i64, tpu.core_type = #tpu.core_type<sc_vector_subcore>, window_params = [{transform_indices = #map}, {transform_indices = #map1}, {transform_indices = #map1}, {transform_indices = #map}, {transform_indices = #map1}]} {
    %mul3A = arith.constant 2 : i32
    %mul3A_0 = arith.muli %arg1, %mul3A : i32
    %add3A = arith.addi %mul3A_0, %arg0 : i32
    "tpu.region"() ({
      %run_scoped3A = tpu.sem_alloc : memref<!tpu.dma_semaphore, #tpu.memory_space<semaphore_mem>>
      %dma_start3A = arith.constant 0 : i32
      %dma_start3A_37 = arith.constant 0 : i32
      %dma_start3A_38 = tpu.memref_slice %arg3[%add3A, %dma_start3A, %dma_start3A_37] : memref<32x79x128xi32, #tpu.memory_space<hbm>> -> memref<1x79x128xi32, #tpu.memory_space<hbm>>
      %dma_start3A_39 = tpu.memref_squeeze %dma_start3A_38 : memref<1x79x128xi32, #tpu.memory_space<hbm>> -> memref<79x128xi32, #tpu.memory_space<hbm>>
      %dma_start3A_40 = arith.constant 0 : i32
      %dma_start3A_41 = arith.constant 0 : i32
      %dma_start3A_42 = tpu.memref_slice %arg3[%add3A, %dma_start3A_40, %dma_start3A_41] : memref<32x79x128xi32, #tpu.memory_space<hbm>> -> memref<1x79x128xi32, #tpu.memory_space<hbm>>
      %dma_start3A_43 = tpu.memref_squeeze %dma_start3A_42 : memref<1x79x128xi32, #tpu.memory_space<hbm>> -> memref<79x128xi32, #tpu.memory_space<hbm>>
      tpu.enqueue_dma source(%dma_start3A_43 : memref<79x128xi32, #tpu.memory_space<hbm>>) target(%arg7 : memref<79x128xi32, #tpu.memory_space<vmem>>) target_semaphore(%run_scoped3A : memref<!tpu.dma_semaphore, #tpu.memory_space<semaphore_mem>>)
      %dma_wait3A = arith.constant 0 : i32
      %dma_wait3A_44 = arith.constant 0 : i32
      %dma_wait3A_45 = tpu.memref_slice %arg3[%add3A, %dma_wait3A, %dma_wait3A_44] : memref<32x79x128xi32, #tpu.memory_space<hbm>> -> memref<1x79x128xi32, #tpu.memory_space<hbm>>
      %dma_wait3A_46 = tpu.memref_squeeze %dma_wait3A_45 : memref<1x79x128xi32, #tpu.memory_space<hbm>> -> memref<79x128xi32, #tpu.memory_space<hbm>>
      %dma_wait3A_47 = arith.constant 0 : i32
      %dma_wait3A_48 = arith.constant 0 : i32
      %dma_wait3A_49 = tpu.memref_slice %arg3[%add3A, %dma_wait3A_47, %dma_wait3A_48] : memref<32x79x128xi32, #tpu.memory_space<hbm>> -> memref<1x79x128xi32, #tpu.memory_space<hbm>>
      %dma_wait3A_50 = tpu.memref_squeeze %dma_wait3A_49 : memref<1x79x128xi32, #tpu.memory_space<hbm>> -> memref<79x128xi32, #tpu.memory_space<hbm>>
      tpu.wait_dma2 semaphore(%run_scoped3A : memref<!tpu.dma_semaphore, #tpu.memory_space<semaphore_mem>>) src(%dma_wait3A_50 : memref<79x128xi32, #tpu.memory_space<hbm>>) dst(%arg7 : memref<79x128xi32, #tpu.memory_space<vmem>>)
      tpu.yield
    }) : () -> ()
    "tpu.region"() ({
      %run_scoped3A = tpu.sem_alloc : memref<!tpu.dma_semaphore, #tpu.memory_space<semaphore_mem>>
      %dma_start3A = arith.constant 0 : i32
      %dma_start3A_37 = arith.constant 0 : i32
      %dma_start3A_38 = tpu.memref_slice %arg4[%add3A, %dma_start3A, %dma_start3A_37] : memref<32x79x128xi32, #tpu.memory_space<hbm>> -> memref<1x79x128xi32, #tpu.memory_space<hbm>>
      %dma_start3A_39 = tpu.memref_squeeze %dma_start3A_38 : memref<1x79x128xi32, #tpu.memory_space<hbm>> -> memref<79x128xi32, #tpu.memory_space<hbm>>
      %dma_start3A_40 = arith.constant 0 : i32
      %dma_start3A_41 = arith.constant 0 : i32
      %dma_start3A_42 = tpu.memref_slice %arg4[%add3A, %dma_start3A_40, %dma_start3A_41] : memref<32x79x128xi32, #tpu.memory_space<hbm>> -> memref<1x79x128xi32, #tpu.memory_space<hbm>>
      %dma_start3A_43 = tpu.memref_squeeze %dma_start3A_42 : memref<1x79x128xi32, #tpu.memory_space<hbm>> -> memref<79x128xi32, #tpu.memory_space<hbm>>
      tpu.enqueue_dma source(%dma_start3A_43 : memref<79x128xi32, #tpu.memory_space<hbm>>) target(%arg8 : memref<79x128xi32, #tpu.memory_space<vmem>>) target_semaphore(%run_scoped3A : memref<!tpu.dma_semaphore, #tpu.memory_space<semaphore_mem>>)
      %dma_wait3A = arith.constant 0 : i32
      %dma_wait3A_44 = arith.constant 0 : i32
      %dma_wait3A_45 = tpu.memref_slice %arg4[%add3A, %dma_wait3A, %dma_wait3A_44] : memref<32x79x128xi32, #tpu.memory_space<hbm>> -> memref<1x79x128xi32, #tpu.memory_space<hbm>>
      %dma_wait3A_46 = tpu.memref_squeeze %dma_wait3A_45 : memref<1x79x128xi32, #tpu.memory_space<hbm>> -> memref<79x128xi32, #tpu.memory_space<hbm>>
      %dma_wait3A_47 = arith.constant 0 : i32
      %dma_wait3A_48 = arith.constant 0 : i32
      %dma_wait3A_49 = tpu.memref_slice %arg4[%add3A, %dma_wait3A_47, %dma_wait3A_48] : memref<32x79x128xi32, #tpu.memory_space<hbm>> -> memref<1x79x128xi32, #tpu.memory_space<hbm>>
      %dma_wait3A_50 = tpu.memref_squeeze %dma_wait3A_49 : memref<1x79x128xi32, #tpu.memory_space<hbm>> -> memref<79x128xi32, #tpu.memory_space<hbm>>
      tpu.wait_dma2 semaphore(%run_scoped3A : memref<!tpu.dma_semaphore, #tpu.memory_space<semaphore_mem>>) src(%dma_wait3A_50 : memref<79x128xi32, #tpu.memory_space<hbm>>) dst(%arg8 : memref<79x128xi32, #tpu.memory_space<vmem>>)
      tpu.yield
    }) : () -> ()
    "tpu.region"() ({
      %run_scoped3A = tpu.sem_alloc : memref<!tpu.dma_semaphore, #tpu.memory_space<semaphore_mem>>
      %dma_start3A = arith.constant 0 : i32
      %dma_start3A_37 = tpu.memref_slice %arg5[%add3A, %dma_start3A] : memref<32x10112xf32, #tpu.memory_space<hbm>> -> memref<1x10112xf32, #tpu.memory_space<hbm>>
      %dma_start3A_38 = tpu.memref_squeeze %dma_start3A_37 : memref<1x10112xf32, #tpu.memory_space<hbm>> -> memref<10112xf32, #tpu.memory_space<hbm>>
      %dma_start3A_39 = arith.constant 0 : i32
      %dma_start3A_40 = tpu.memref_slice %arg5[%add3A, %dma_start3A_39] : memref<32x10112xf32, #tpu.memory_space<hbm>> -> memref<1x10112xf32, #tpu.memory_space<hbm>>
      %dma_start3A_41 = tpu.memref_squeeze %dma_start3A_40 : memref<1x10112xf32, #tpu.memory_space<hbm>> -> memref<10112xf32, #tpu.memory_space<hbm>>
      tpu.enqueue_dma source(%dma_start3A_41 : memref<10112xf32, #tpu.memory_space<hbm>>) target(%arg9 : memref<10112xf32, #tpu.memory_space<vmem>>) target_semaphore(%run_scoped3A : memref<!tpu.dma_semaphore, #tpu.memory_space<semaphore_mem>>)
      %dma_wait3A = arith.constant 0 : i32
      %dma_wait3A_42 = tpu.memref_slice %arg5[%add3A, %dma_wait3A] : memref<32x10112xf32, #tpu.memory_space<hbm>> -> memref<1x10112xf32, #tpu.memory_space<hbm>>
      %dma_wait3A_43 = tpu.memref_squeeze %dma_wait3A_42 : memref<1x10112xf32, #tpu.memory_space<hbm>> -> memref<10112xf32, #tpu.memory_space<hbm>>
      %dma_wait3A_44 = arith.constant 0 : i32
      %dma_wait3A_45 = tpu.memref_slice %arg5[%add3A, %dma_wait3A_44] : memref<32x10112xf32, #tpu.memory_space<hbm>> -> memref<1x10112xf32, #tpu.memory_space<hbm>>
      %dma_wait3A_46 = tpu.memref_squeeze %dma_wait3A_45 : memref<1x10112xf32, #tpu.memory_space<hbm>> -> memref<10112xf32, #tpu.memory_space<hbm>>
      tpu.wait_dma2 semaphore(%run_scoped3A : memref<!tpu.dma_semaphore, #tpu.memory_space<semaphore_mem>>) src(%dma_wait3A_46 : memref<10112xf32, #tpu.memory_space<hbm>>) dst(%arg9 : memref<10112xf32, #tpu.memory_space<vmem>>)
      tpu.yield
    }) : () -> ()
    %scan3A = arith.constant 0 : i32
    %scan3A_1 = arith.constant 0 : i32
    %scan3A_2 = arith.constant 1024 : i32
    %scan3A_3 = arith.addi %scan3A_1, %scan3A_2 : i32
    %scan3A_4 = arith.constant 1 : i32
    %scan3A_5 = scf.for %scan3A_37 = %scan3A_1 to %scan3A_3 step %scan3A_4 iter_args(%scan3A_38 = %scan3A) -> (i32)  : i32 {
      %jit3A = arith.constant 8 : i32
      %div3A = arith.divsi %scan3A_37, %jit3A : i32
      %sign3A = arith.constant 0 : i32
      %sign3A_39 = arith.cmpi sgt, %scan3A_37, %sign3A : i32
      %sign3A_40 = arith.extui %sign3A_39 : i1 to i32
      %sign3A_41 = arith.constant 0 : i32
      %sign3A_42 = arith.cmpi slt, %scan3A_37, %sign3A_41 : i32
      %sign3A_43 = arith.extui %sign3A_42 : i1 to i32
      %sign3A_44 = arith.subi %sign3A_40, %sign3A_43 : i32
      %sign3A_45 = arith.constant 0 : i32
      %sign3A_46 = arith.cmpi sgt, %jit3A, %sign3A_45 : i32
      %sign3A_47 = arith.extui %sign3A_46 : i1 to i32
      %sign3A_48 = arith.constant 0 : i32
      %sign3A_49 = arith.cmpi slt, %jit3A, %sign3A_48 : i32
      %sign3A_50 = arith.extui %sign3A_49 : i1 to i32
      %sign3A_51 = arith.subi %sign3A_47, %sign3A_50 : i32
      %ne3A = arith.cmpi ne, %sign3A_44, %sign3A_51 : i32
      %rem3A = arith.remsi %scan3A_37, %jit3A : i32
      %ne3A_52 = arith.constant 0 : i32
      %ne3A_53 = arith.cmpi ne, %rem3A, %ne3A_52 : i32
      %and3A = arith.andi %ne3A, %ne3A_53 : i1
      %sub3A = arith.constant 1 : i32
      %sub3A_54 = arith.subi %div3A, %sub3A : i32
      %select_n3A = arith.select %and3A, %sub3A_54, %div3A : i32
      %jit3A_55 = arith.constant 8 : i32
      %eq3A = arith.constant 0 : i32
      %eq3A_56 = arith.cmpi eq, %jit3A_55, %eq3A : i32
      %jit3A_57 = arith.constant 1 : i32
      %select_n3A_58 = arith.select %eq3A_56, %jit3A_57, %jit3A_55 : i32
      %rem3A_59 = arith.remsi %scan3A_37, %select_n3A_58 : i32
      %ne3A_60 = arith.constant 0 : i32
      %ne3A_61 = arith.cmpi ne, %rem3A_59, %ne3A_60 : i32
      %lt3A = arith.constant 0 : i32
      %lt3A_62 = arith.cmpi slt, %rem3A_59, %lt3A : i32
      %lt3A_63 = arith.constant 0 : i32
      %lt3A_64 = arith.cmpi slt, %select_n3A_58, %lt3A_63 : i32
      %ne3A_65 = arith.xori %lt3A_62, %lt3A_64 : i1
      %and3A_66 = arith.andi %ne3A_65, %ne3A_61 : i1
      %add3A_67 = arith.addi %rem3A_59, %select_n3A_58 : i32
      %select_n3A_68 = arith.select %and3A_66, %add3A_67, %rem3A_59 : i32
      %mul3A_69 = arith.constant 16 : i32
      %mul3A_70 = arith.muli %select_n3A_68, %mul3A_69 : i32
      %broadcast_in_dim3A = arith.constant 0.000000e+00 : f32
      %broadcast_in_dim3A_71 = vector.broadcast %broadcast_in_dim3A : f32 to vector<16xf32>
      %multiple_of3A = tpu.assume_multiple %mul3A_70, 16 : i32
      %swap3A = arith.index_cast %select_n3A : i32 to index
      %swap3A_72 = arith.index_cast %multiple_of3A : i32 to index
      %swap3A_73 = tpu.vector_load %arg10[%swap3A, %swap3A_72] {strides = array<i32>} : memref<128x128xf32, #tpu.memory_space<vmem>>, vector<16xf32>,
      tpu.vector_store %arg10[%swap3A, %swap3A_72], %broadcast_in_dim3A_71 {strides = array<i32>} : memref<128x128xf32, #tpu.memory_space<vmem>>, vector<16xf32>,
      %scan3A_74 = arith.constant 0 : i32
      scf.yield %scan3A_74 : i32
    }
    %scan3A_6 = arith.constant 1024 : i32
    %mul3A_7 = arith.constant 640 : i32
    %mul3A_8 = arith.muli %arg1, %mul3A_7 : i32
    %add3A_9 = arith.constant 0 : i32
    %add3A_10 = arith.addi %mul3A_8, %add3A_9 : i32
    "tpu.region"() ({
      %run_scoped3A = tpu.sem_alloc : memref<!tpu.dma_semaphore, #tpu.memory_space<semaphore_mem>>
      %dma_start3A = arith.constant 0 : i32
      %dma_start3A_37 = tpu.memref_slice %arg11[%add3A_10, %dma_start3A] : memref<10240x128xf32, #tpu.memory_space<vmem_shared>> -> memref<128x128xf32, #tpu.memory_space<vmem_shared>>
      %dma_start3A_38 = arith.constant 0 : i32
      %dma_start3A_39 = tpu.memref_slice %arg11[%add3A_10, %dma_start3A_38] : memref<10240x128xf32, #tpu.memory_space<vmem_shared>> -> memref<128x128xf32, #tpu.memory_space<vmem_shared>>
      tpu.enqueue_dma source(%arg10 : memref<128x128xf32, #tpu.memory_space<vmem>>) target(%dma_start3A_39 : memref<128x128xf32, #tpu.memory_space<vmem_shared>>) target_semaphore(%run_scoped3A : memref<!tpu.dma_semaphore, #tpu.memory_space<semaphore_mem>>)
      %dma_wait3A = arith.constant 0 : i32
      %dma_wait3A_40 = tpu.memref_slice %arg11[%add3A_10, %dma_wait3A] : memref<10240x128xf32, #tpu.memory_space<vmem_shared>> -> memref<128x128xf32, #tpu.memory_space<vmem_shared>>
      %dma_wait3A_41 = arith.constant 0 : i32
      %dma_wait3A_42 = tpu.memref_slice %arg11[%add3A_10, %dma_wait3A_41] : memref<10240x128xf32, #tpu.memory_space<vmem_shared>> -> memref<128x128xf32, #tpu.memory_space<vmem_shared>>
      tpu.wait_dma2 semaphore(%run_scoped3A : memref<!tpu.dma_semaphore, #tpu.memory_space<semaphore_mem>>) src(%arg10 : memref<128x128xf32, #tpu.memory_space<vmem>>) dst(%dma_wait3A_42 : memref<128x128xf32, #tpu.memory_space<vmem_shared>>)
      tpu.yield
    }) : () -> ()
    %mul3A_11 = arith.constant 640 : i32
    %mul3A_12 = arith.muli %arg1, %mul3A_11 : i32
    %add3A_13 = arith.constant 128 : i32
    %add3A_14 = arith.addi %mul3A_12, %add3A_13 : i32
    "tpu.region"() ({
      %run_scoped3A = tpu.sem_alloc : memref<!tpu.dma_semaphore, #tpu.memory_space<semaphore_mem>>
      %dma_start3A = arith.constant 0 : i32
      %dma_start3A_37 = tpu.memref_slice %arg11[%add3A_14, %dma_start3A] : memref<10240x128xf32, #tpu.memory_space<vmem_shared>> -> memref<128x128xf32, #tpu.memory_space<vmem_shared>>
      %dma_start3A_38 = arith.constant 0 : i32
      %dma_start3A_39 = tpu.memref_slice %arg11[%add3A_14, %dma_start3A_38] : memref<10240x128xf32, #tpu.memory_space<vmem_shared>> -> memref<128x128xf32, #tpu.memory_space<vmem_shared>>
      tpu.enqueue_dma source(%arg10 : memref<128x128xf32, #tpu.memory_space<vmem>>) target(%dma_start3A_39 : memref<128x128xf32, #tpu.memory_space<vmem_shared>>) target_semaphore(%run_scoped3A : memref<!tpu.dma_semaphore, #tpu.memory_space<semaphore_mem>>)
      %dma_wait3A = arith.constant 0 : i32
      %dma_wait3A_40 = tpu.memref_slice %arg11[%add3A_14, %dma_wait3A] : memref<10240x128xf32, #tpu.memory_space<vmem_shared>> -> memref<128x128xf32, #tpu.memory_space<vmem_shared>>
      %dma_wait3A_41 = arith.constant 0 : i32
      %dma_wait3A_42 = tpu.memref_slice %arg11[%add3A_14, %dma_wait3A_41] : memref<10240x128xf32, #tpu.memory_space<vmem_shared>> -> memref<128x128xf32, #tpu.memory_space<vmem_shared>>
      tpu.wait_dma2 semaphore(%run_scoped3A : memref<!tpu.dma_semaphore, #tpu.memory_space<semaphore_mem>>) src(%arg10 : memref<128x128xf32, #tpu.memory_space<vmem>>) dst(%dma_wait3A_42 : memref<128x128xf32, #tpu.memory_space<vmem_shared>>)
      tpu.yield
    }) : () -> ()
    %mul3A_15 = arith.constant 640 : i32
    %mul3A_16 = arith.muli %arg1, %mul3A_15 : i32
    %add3A_17 = arith.constant 256 : i32
    %add3A_18 = arith.addi %mul3A_16, %add3A_17 : i32
    "tpu.region"() ({
      %run_scoped3A = tpu.sem_alloc : memref<!tpu.dma_semaphore, #tpu.memory_space<semaphore_mem>>
      %dma_start3A = arith.constant 0 : i32
      %dma_start3A_37 = tpu.memref_slice %arg11[%add3A_18, %dma_start3A] : memref<10240x128xf32, #tpu.memory_space<vmem_shared>> -> memref<128x128xf32, #tpu.memory_space<vmem_shared>>
      %dma_start3A_38 = arith.constant 0 : i32
      %dma_start3A_39 = tpu.memref_slice %arg11[%add3A_18, %dma_start3A_38] : memref<10240x128xf32, #tpu.memory_space<vmem_shared>> -> memref<128x128xf32, #tpu.memory_space<vmem_shared>>
      tpu.enqueue_dma source(%arg10 : memref<128x128xf32, #tpu.memory_space<vmem>>) target(%dma_start3A_39 : memref<128x128xf32, #tpu.memory_space<vmem_shared>>) target_semaphore(%run_scoped3A : memref<!tpu.dma_semaphore, #tpu.memory_space<semaphore_mem>>)
      %dma_wait3A = arith.constant 0 : i32
      %dma_wait3A_40 = tpu.memref_slice %arg11[%add3A_18, %dma_wait3A] : memref<10240x128xf32, #tpu.memory_space<vmem_shared>> -> memref<128x128xf32, #tpu.memory_space<vmem_shared>>
      %dma_wait3A_41 = arith.constant 0 : i32
      %dma_wait3A_42 = tpu.memref_slice %arg11[%add3A_18, %dma_wait3A_41] : memref<10240x128xf32, #tpu.memory_space<vmem_shared>> -> memref<128x128xf32, #tpu.memory_space<vmem_shared>>
      tpu.wait_dma2 semaphore(%run_scoped3A : memref<!tpu.dma_semaphore, #tpu.memory_space<semaphore_mem>>) src(%arg10 : memref<128x128xf32, #tpu.memory_space<vmem>>) dst(%dma_wait3A_42 : memref<128x128xf32, #tpu.memory_space<vmem_shared>>)
      tpu.yield
    }) : () -> ()
    %mul3A_19 = arith.constant 640 : i32
    %mul3A_20 = arith.muli %arg1, %mul3A_19 : i32
    %add3A_21 = arith.constant 384 : i32
    %add3A_22 = arith.addi %mul3A_20, %add3A_21 : i32
    "tpu.region"() ({
      %run_scoped3A = tpu.sem_alloc : memref<!tpu.dma_semaphore, #tpu.memory_space<semaphore_mem>>
      %dma_start3A = arith.constant 0 : i32
      %dma_start3A_37 = tpu.memref_slice %arg11[%add3A_22, %dma_start3A] : memref<10240x128xf32, #tpu.memory_space<vmem_shared>> -> memref<128x128xf32, #tpu.memory_space<vmem_shared>>
      %dma_start3A_38 = arith.constant 0 : i32
      %dma_start3A_39 = tpu.memref_slice %arg11[%add3A_22, %dma_start3A_38] : memref<10240x128xf32, #tpu.memory_space<vmem_shared>> -> memref<128x128xf32, #tpu.memory_space<vmem_shared>>
      tpu.enqueue_dma source(%arg10 : memref<128x128xf32, #tpu.memory_space<vmem>>) target(%dma_start3A_39 : memref<128x128xf32, #tpu.memory_space<vmem_shared>>) target_semaphore(%run_scoped3A : memref<!tpu.dma_semaphore, #tpu.memory_space<semaphore_mem>>)
      %dma_wait3A = arith.constant 0 : i32
      %dma_wait3A_40 = tpu.memref_slice %arg11[%add3A_22, %dma_wait3A] : memref<10240x128xf32, #tpu.memory_space<vmem_shared>> -> memref<128x128xf32, #tpu.memory_space<vmem_shared>>
      %dma_wait3A_41 = arith.constant 0 : i32
      %dma_wait3A_42 = tpu.memref_slice %arg11[%add3A_22, %dma_wait3A_41] : memref<10240x128xf32, #tpu.memory_space<vmem_shared>> -> memref<128x128xf32, #tpu.memory_space<vmem_shared>>
      tpu.wait_dma2 semaphore(%run_scoped3A : memref<!tpu.dma_semaphore, #tpu.memory_space<semaphore_mem>>) src(%arg10 : memref<128x128xf32, #tpu.memory_space<vmem>>) dst(%dma_wait3A_42 : memref<128x128xf32, #tpu.memory_space<vmem_shared>>)
      tpu.yield
    }) : () -> ()
    %mul3A_23 = arith.constant 640 : i32
    %mul3A_24 = arith.muli %arg1, %mul3A_23 : i32
    %add3A_25 = arith.constant 512 : i32
    %add3A_26 = arith.addi %mul3A_24, %add3A_25 : i32
    "tpu.region"() ({
      %run_scoped3A = tpu.sem_alloc : memref<!tpu.dma_semaphore, #tpu.memory_space<semaphore_mem>>
      %dma_start3A = arith.constant 0 : i32
      %dma_start3A_37 = tpu.memref_slice %arg11[%add3A_26, %dma_start3A] : memref<10240x128xf32, #tpu.memory_space<vmem_shared>> -> memref<128x128xf32, #tpu.memory_space<vmem_shared>>
      %dma_start3A_38 = arith.constant 0 : i32
      %dma_start3A_39 = tpu.memref_slice %arg11[%add3A_26, %dma_start3A_38] : memref<10240x128xf32, #tpu.memory_space<vmem_shared>> -> memref<128x128xf32, #tpu.memory_space<vmem_shared>>
      tpu.enqueue_dma source(%arg10 : memref<128x128xf32, #tpu.memory_space<vmem>>) target(%dma_start3A_39 : memref<128x128xf32, #tpu.memory_space<vmem_shared>>) target_semaphore(%run_scoped3A : memref<!tpu.dma_semaphore, #tpu.memory_space<semaphore_mem>>)
      %dma_wait3A = arith.constant 0 : i32
      %dma_wait3A_40 = tpu.memref_slice %arg11[%add3A_26, %dma_wait3A] : memref<10240x128xf32, #tpu.memory_space<vmem_shared>> -> memref<128x128xf32, #tpu.memory_space<vmem_shared>>
      %dma_wait3A_41 = arith.constant 0 : i32
      %dma_wait3A_42 = tpu.memref_slice %arg11[%add3A_26, %dma_wait3A_41] : memref<10240x128xf32, #tpu.memory_space<vmem_shared>> -> memref<128x128xf32, #tpu.memory_space<vmem_shared>>
      tpu.wait_dma2 semaphore(%run_scoped3A : memref<!tpu.dma_semaphore, #tpu.memory_space<semaphore_mem>>) src(%arg10 : memref<128x128xf32, #tpu.memory_space<vmem>>) dst(%dma_wait3A_42 : memref<128x128xf32, #tpu.memory_space<vmem_shared>>)
      tpu.yield
    }) : () -> ()
    %barrier3A = arith.constant 0 : index
    tpu.barrier barrier_id(%barrier3A)
    %scan3A_27 = arith.constant 0 : i32
    %scan3A_28 = arith.constant 0 : i32
    %scan3A_29 = arith.constant 79 : i32
    %scan3A_30 = arith.addi %scan3A_28, %scan3A_29 : i32
    %scan3A_31 = arith.constant 1 : i32
    %scan3A_32 = scf.for %scan3A_37 = %scan3A_28 to %scan3A_30 step %scan3A_31 iter_args(%scan3A_38 = %scan3A_27) -> (i32)  : i32 {
      "tpu.region"() ({
        %run_scoped3A = tpu.sem_alloc : memref<!tpu.dma_semaphore, #tpu.memory_space<semaphore_mem>>
        %dma_start3A = arith.constant 0 : i32
        %dma_start3A_47 = tpu.memref_slice %arg7[%scan3A_37, %dma_start3A] : memref<79x128xi32, #tpu.memory_space<vmem>> -> memref<1x128xi32, #tpu.memory_space<vmem>>
        %dma_start3A_48 = tpu.memref_squeeze %dma_start3A_47 : memref<1x128xi32, #tpu.memory_space<vmem>> -> memref<128xi32, #tpu.memory_space<vmem>>
        %dma_start3A_49 = arith.constant 0 : i32
        %dma_start3A_50 = arith.constant 0 : i32
        %dma_start3A_51 = tpu.memref_slice %arg2[%dma_start3A_49, %dma_start3A_50] : memref<10240x128xf32, #tpu.memory_space<hbm>> -> memref<10240x128xf32, #tpu.memory_space<hbm>>
        tpu.enqueue_indirect_dma source(%dma_start3A_51 : memref<10240x128xf32, #tpu.memory_space<hbm>>) target(%arg10 : memref<128x128xf32, #tpu.memory_space<vmem>>) offsets(%dma_start3A_48 : memref<128xi32, #tpu.memory_space<vmem>>) semaphore(%run_scoped3A : memref<!tpu.dma_semaphore, #tpu.memory_space<semaphore_mem>>)
        %dma_wait3A = arith.constant 0 : i32
        %dma_wait3A_52 = tpu.memref_slice %arg7[%scan3A_37, %dma_wait3A] : memref<79x128xi32, #tpu.memory_space<vmem>> -> memref<1x128xi32, #tpu.memory_space<vmem>>
        %dma_wait3A_53 = tpu.memref_squeeze %dma_wait3A_52 : memref<1x128xi32, #tpu.memory_space<vmem>> -> memref<128xi32, #tpu.memory_space<vmem>>
        %dma_wait3A_54 = arith.constant 0 : i32
        %dma_wait3A_55 = arith.constant 0 : i32
        %dma_wait3A_56 = tpu.memref_slice %arg2[%dma_wait3A_54, %dma_wait3A_55] : memref<10240x128xf32, #tpu.memory_space<hbm>> -> memref<10240x128xf32, #tpu.memory_space<hbm>>
        tpu.wait_indirect_dma semaphore(%run_scoped3A : memref<!tpu.dma_semaphore, #tpu.memory_space<semaphore_mem>>) src(%dma_wait3A_56 : memref<10240x128xf32, #tpu.memory_space<hbm>>) dst(%arg10 : memref<128x128xf32, #tpu.memory_space<vmem>>)
        tpu.yield
      }) : () -> ()
      %scan3A_39 = arith.constant 0 : i32
      %scan3A_40 = arith.constant 0 : i32
      %scan3A_41 = arith.constant 128 : i32
      %scan3A_42 = arith.addi %scan3A_40, %scan3A_41 : i32
      %scan3A_43 = arith.constant 1 : i32
      %scan3A_44 = scf.for %scan3A_47 = %scan3A_40 to %scan3A_42 step %scan3A_43 iter_args(%scan3A_48 = %scan3A_39) -> (i32)  : i32 {
        %mul3A_49 = arith.constant 128 : i32
        %mul3A_50 = arith.muli %scan3A_37, %mul3A_49 : i32
        %add3A_51 = arith.addi %mul3A_50, %scan3A_47 : i32
        %broadcast_in_dim3A = vector.broadcast %add3A_51 : i32 to vector<16xi32>
        %gather3A = tpu.vector_load_idx %arg9[%broadcast_in_dim3A] : memref<10112xf32, #tpu.memory_space<vmem>>[vector<16xi32>], vector<16xf32>,
        %get3A = arith.index_cast %scan3A_47 : i32 to index
        %get3A_52 = arith.constant 0 : index
        %get3A_53 = tpu.vector_load %arg10[%get3A, %get3A_52] {strides = array<i32>} : memref<128x128xf32, #tpu.memory_space<vmem>>, vector<16xf32>,
        %mul3A_54 = arith.mulf %get3A_53, %gather3A : vector<16xf32>
        %swap3A = arith.index_cast %scan3A_47 : i32 to index
        %swap3A_55 = arith.constant 0 : index
        %swap3A_56 = tpu.vector_load %arg10[%swap3A, %swap3A_55] {strides = array<i32>} : memref<128x128xf32, #tpu.memory_space<vmem>>, vector<16xf32>,
        tpu.vector_store %arg10[%swap3A, %swap3A_55], %mul3A_54 {strides = array<i32>} : memref<128x128xf32, #tpu.memory_space<vmem>>, vector<16xf32>,
        %get3A_57 = arith.index_cast %scan3A_47 : i32 to index
        %get3A_58 = arith.constant 16 : index
        %get3A_59 = tpu.vector_load %arg10[%get3A_57, %get3A_58] {strides = array<i32>} : memref<128x128xf32, #tpu.memory_space<vmem>>, vector<16xf32>,
        %mul3A_60 = arith.mulf %get3A_59, %gather3A : vector<16xf32>
        %swap3A_61 = arith.index_cast %scan3A_47 : i32 to index
        %swap3A_62 = arith.constant 16 : index
        %swap3A_63 = tpu.vector_load %arg10[%swap3A_61, %swap3A_62] {strides = array<i32>} : memref<128x128xf32, #tpu.memory_space<vmem>>, vector<16xf32>,
        tpu.vector_store %arg10[%swap3A_61, %swap3A_62], %mul3A_60 {strides = array<i32>} : memref<128x128xf32, #tpu.memory_space<vmem>>, vector<16xf32>,
        %get3A_64 = arith.index_cast %scan3A_47 : i32 to index
        %get3A_65 = arith.constant 32 : index
        %get3A_66 = tpu.vector_load %arg10[%get3A_64, %get3A_65] {strides = array<i32>} : memref<128x128xf32, #tpu.memory_space<vmem>>, vector<16xf32>,
        %mul3A_67 = arith.mulf %get3A_66, %gather3A : vector<16xf32>
        %swap3A_68 = arith.index_cast %scan3A_47 : i32 to index
        %swap3A_69 = arith.constant 32 : index
        %swap3A_70 = tpu.vector_load %arg10[%swap3A_68, %swap3A_69] {strides = array<i32>} : memref<128x128xf32, #tpu.memory_space<vmem>>, vector<16xf32>,
        tpu.vector_store %arg10[%swap3A_68, %swap3A_69], %mul3A_67 {strides = array<i32>} : memref<128x128xf32, #tpu.memory_space<vmem>>, vector<16xf32>,
        %get3A_71 = arith.index_cast %scan3A_47 : i32 to index
        %get3A_72 = arith.constant 48 : index
        %get3A_73 = tpu.vector_load %arg10[%get3A_71, %get3A_72] {strides = array<i32>} : memref<128x128xf32, #tpu.memory_space<vmem>>, vector<16xf32>,
        %mul3A_74 = arith.mulf %get3A_73, %gather3A : vector<16xf32>
        %swap3A_75 = arith.index_cast %scan3A_47 : i32 to index
        %swap3A_76 = arith.constant 48 : index
        %swap3A_77 = tpu.vector_load %arg10[%swap3A_75, %swap3A_76] {strides = array<i32>} : memref<128x128xf32, #tpu.memory_space<vmem>>, vector<16xf32>,
        tpu.vector_store %arg10[%swap3A_75, %swap3A_76], %mul3A_74 {strides = array<i32>} : memref<128x128xf32, #tpu.memory_space<vmem>>, vector<16xf32>,
        %get3A_78 = arith.index_cast %scan3A_47 : i32 to index
        %get3A_79 = arith.constant 64 : index
        %get3A_80 = tpu.vector_load %arg10[%get3A_78, %get3A_79] {strides = array<i32>} : memref<128x128xf32, #tpu.memory_space<vmem>>, vector<16xf32>,
        %mul3A_81 = arith.mulf %get3A_80, %gather3A : vector<16xf32>
        %swap3A_82 = arith.index_cast %scan3A_47 : i32 to index
        %swap3A_83 = arith.constant 64 : index
        %swap3A_84 = tpu.vector_load %arg10[%swap3A_82, %swap3A_83] {strides = array<i32>} : memref<128x128xf32, #tpu.memory_space<vmem>>, vector<16xf32>,
        tpu.vector_store %arg10[%swap3A_82, %swap3A_83], %mul3A_81 {strides = array<i32>} : memref<128x128xf32, #tpu.memory_space<vmem>>, vector<16xf32>,
        %get3A_85 = arith.index_cast %scan3A_47 : i32 to index
        %get3A_86 = arith.constant 80 : index
        %get3A_87 = tpu.vector_load %arg10[%get3A_85, %get3A_86] {strides = array<i32>} : memref<128x128xf32, #tpu.memory_space<vmem>>, vector<16xf32>,
        %mul3A_88 = arith.mulf %get3A_87, %gather3A : vector<16xf32>
        %swap3A_89 = arith.index_cast %scan3A_47 : i32 to index
        %swap3A_90 = arith.constant 80 : index
        %swap3A_91 = tpu.vector_load %arg10[%swap3A_89, %swap3A_90] {strides = array<i32>} : memref<128x128xf32, #tpu.memory_space<vmem>>, vector<16xf32>,
        tpu.vector_store %arg10[%swap3A_89, %swap3A_90], %mul3A_88 {strides = array<i32>} : memref<128x128xf32, #tpu.memory_space<vmem>>, vector<16xf32>,
        %get3A_92 = arith.index_cast %scan3A_47 : i32 to index
        %get3A_93 = arith.constant 96 : index
        %get3A_94 = tpu.vector_load %arg10[%get3A_92, %get3A_93] {strides = array<i32>} : memref<128x128xf32, #tpu.memory_space<vmem>>, vector<16xf32>,
        %mul3A_95 = arith.mulf %get3A_94, %gather3A : vector<16xf32>
        %swap3A_96 = arith.index_cast %scan3A_47 : i32 to index
        %swap3A_97 = arith.constant 96 : index
        %swap3A_98 = tpu.vector_load %arg10[%swap3A_96, %swap3A_97] {strides = array<i32>} : memref<128x128xf32, #tpu.memory_space<vmem>>, vector<16xf32>,
        tpu.vector_store %arg10[%swap3A_96, %swap3A_97], %mul3A_95 {strides = array<i32>} : memref<128x128xf32, #tpu.memory_space<vmem>>, vector<16xf32>,
        %get3A_99 = arith.index_cast %scan3A_47 : i32 to index
        %get3A_100 = arith.constant 112 : index
        %get3A_101 = tpu.vector_load %arg10[%get3A_99, %get3A_100] {strides = array<i32>} : memref<128x128xf32, #tpu.memory_space<vmem>>, vector<16xf32>,
        %mul3A_102 = arith.mulf %get3A_101, %gather3A : vector<16xf32>
        %swap3A_103 = arith.index_cast %scan3A_47 : i32 to index
        %swap3A_104 = arith.constant 112 : index
        %swap3A_105 = tpu.vector_load %arg10[%swap3A_103, %swap3A_104] {strides = array<i32>} : memref<128x128xf32, #tpu.memory_space<vmem>>, vector<16xf32>,
        tpu.vector_store %arg10[%swap3A_103, %swap3A_104], %mul3A_102 {strides = array<i32>} : memref<128x128xf32, #tpu.memory_space<vmem>>, vector<16xf32>,
        %scan3A_106 = arith.constant 0 : i32
        scf.yield %scan3A_106 : i32
      }
      %scan3A_45 = arith.constant 128 : i32
      "tpu.region"() ({
        %run_scoped3A = tpu.sem_alloc : memref<!tpu.dma_semaphore, #tpu.memory_space<semaphore_mem>>
        %dma_start3A = arith.constant 0 : i32
        %dma_start3A_47 = tpu.memref_slice %arg8[%scan3A_37, %dma_start3A] : memref<79x128xi32, #tpu.memory_space<vmem>> -> memref<1x128xi32, #tpu.memory_space<vmem>>
        %dma_start3A_48 = tpu.memref_squeeze %dma_start3A_47 : memref<1x128xi32, #tpu.memory_space<vmem>> -> memref<128xi32, #tpu.memory_space<vmem>>
        %dma_start3A_49 = arith.constant 0 : i32
        %dma_start3A_50 = arith.constant 0 : i32
        %dma_start3A_51 = tpu.memref_slice %arg11[%dma_start3A_49, %dma_start3A_50] : memref<10240x128xf32, #tpu.memory_space<vmem_shared>> -> memref<10240x128xf32, #tpu.memory_space<vmem_shared>>
        tpu.enqueue_indirect_dma source(%arg10 : memref<128x128xf32, #tpu.memory_space<vmem>>) target(%dma_start3A_51 : memref<10240x128xf32, #tpu.memory_space<vmem_shared>>) offsets(%dma_start3A_48 : memref<128xi32, #tpu.memory_space<vmem>>) semaphore(%run_scoped3A : memref<!tpu.dma_semaphore, #tpu.memory_space<semaphore_mem>>) {add = true}
        %dma_wait3A = arith.constant 0 : i32
        %dma_wait3A_52 = tpu.memref_slice %arg8[%scan3A_37, %dma_wait3A] : memref<79x128xi32, #tpu.memory_space<vmem>> -> memref<1x128xi32, #tpu.memory_space<vmem>>
        %dma_wait3A_53 = tpu.memref_squeeze %dma_wait3A_52 : memref<1x128xi32, #tpu.memory_space<vmem>> -> memref<128xi32, #tpu.memory_space<vmem>>
        %dma_wait3A_54 = arith.constant 0 : i32
        %dma_wait3A_55 = arith.constant 0 : i32
        %dma_wait3A_56 = tpu.memref_slice %arg11[%dma_wait3A_54, %dma_wait3A_55] : memref<10240x128xf32, #tpu.memory_space<vmem_shared>> -> memref<10240x128xf32, #tpu.memory_space<vmem_shared>>
        tpu.wait_indirect_dma semaphore(%run_scoped3A : memref<!tpu.dma_semaphore, #tpu.memory_space<semaphore_mem>>) src(%arg10 : memref<128x128xf32, #tpu.memory_space<vmem>>) dst(%dma_wait3A_56 : memref<10240x128xf32, #tpu.memory_space<vmem_shared>>)
        tpu.yield
      }) : () -> ()
      %scan3A_46 = arith.constant 0 : i32
      scf.yield %scan3A_46 : i32
    }
    %scan3A_33 = arith.constant 79 : i32
    %barrier3A_34 = arith.constant 0 : index
    tpu.barrier barrier_id(%barrier3A_34)
    %mul3A_35 = arith.constant 640 : i32
    %mul3A_36 = arith.muli %arg1, %mul3A_35 : i32
    "tpu.region"() ({
      %run_scoped3A = tpu.sem_alloc : memref<!tpu.dma_semaphore, #tpu.memory_space<semaphore_mem>>
      %dma_start3A = arith.constant 0 : i32
      %dma_start3A_37 = tpu.memref_slice %arg6[%arg0, %mul3A_36, %dma_start3A] : memref<2x10240x128xf32, #tpu.memory_space<hbm>> -> memref<1x640x128xf32, #tpu.memory_space<hbm>>
      %dma_start3A_38 = tpu.memref_squeeze %dma_start3A_37 : memref<1x640x128xf32, #tpu.memory_space<hbm>> -> memref<640x128xf32, #tpu.memory_space<hbm>>
      %dma_start3A_39 = arith.constant 0 : i32
      %dma_start3A_40 = tpu.memref_slice %arg11[%mul3A_36, %dma_start3A_39] : memref<10240x128xf32, #tpu.memory_space<vmem_shared>> -> memref<640x128xf32, #tpu.memory_space<vmem_shared>>
      tpu.enqueue_dma source(%dma_start3A_40 : memref<640x128xf32, #tpu.memory_space<vmem_shared>>) target(%dma_start3A_38 : memref<640x128xf32, #tpu.memory_space<hbm>>) target_semaphore(%run_scoped3A : memref<!tpu.dma_semaphore, #tpu.memory_space<semaphore_mem>>)
      %dma_wait3A = arith.constant 0 : i32
      %dma_wait3A_41 = tpu.memref_slice %arg6[%arg0, %mul3A_36, %dma_wait3A] : memref<2x10240x128xf32, #tpu.memory_space<hbm>> -> memref<1x640x128xf32, #tpu.memory_space<hbm>>
      %dma_wait3A_42 = tpu.memref_squeeze %dma_wait3A_41 : memref<1x640x128xf32, #tpu.memory_space<hbm>> -> memref<640x128xf32, #tpu.memory_space<hbm>>
      %dma_wait3A_43 = arith.constant 0 : i32
      %dma_wait3A_44 = tpu.memref_slice %arg11[%mul3A_36, %dma_wait3A_43] : memref<10240x128xf32, #tpu.memory_space<vmem_shared>> -> memref<640x128xf32, #tpu.memory_space<vmem_shared>>
      tpu.wait_dma2 semaphore(%run_scoped3A : memref<!tpu.dma_semaphore, #tpu.memory_space<semaphore_mem>>) src(%dma_wait3A_44 : memref<640x128xf32, #tpu.memory_space<vmem_shared>>) dst(%dma_wait3A_42 : memref<640x128xf32, #tpu.memory_space<hbm>>)
      tpu.yield
    }) : () -> ()
    return
  }
}

module attributes {stable_mosaic.version = 14 : i64} {
  func.func @_mkdis_body(%arg0: memref<32x10240xf32, #tpu.memory_space<vmem>>, %arg1: memref<1x10240xf32, #tpu.memory_space<vmem>>) attributes {dimension_semantics = [], scalar_prefetch = 0 : i64, scratch_operands = 0 : i64, tpu.core_type = #tpu.core_type<tc>} {
    %get3A = arith.constant 0 : index
    %get3A_0 = arith.constant 0 : index
    %get3A_1 = vector.load %arg0[%get3A, %get3A_0] : memref<32x10240xf32, #tpu.memory_space<vmem>>, vector<32x10240xf32>
    %reduce_sum3A = arith.constant dense<0.000000e+00> : vector<10240xf32>
    %reduce_sum3A_2 = vector.multi_reduction <add>, %get3A_1, %reduce_sum3A [0] : vector<32x10240xf32> to vector<10240xf32>
    %broadcast_in_dim3A = vector.shape_cast %reduce_sum3A_2 : vector<10240xf32> to vector<1x10240xf32>
    %add3A = arith.constant 1.000000e+00 : f32
    %add3A_3 = vector.broadcast %add3A : f32 to vector<1x10240xf32>
    %add3A_4 = arith.addf %broadcast_in_dim3A, %add3A_3 : vector<1x10240xf32>
    %rsqrt3A = math.rsqrt %add3A_4 : vector<1x10240xf32>
    %swap3A = arith.constant 0 : index
    %swap3A_5 = arith.constant 0 : index
    %swap3A_6 = vector.load %arg1[%swap3A, %swap3A_5] : memref<1x10240xf32, #tpu.memory_space<vmem>>, vector<1x10240xf32>
    tpu.vector_store %arg1[%swap3A, %swap3A_5], %rsqrt3A {strides = array<i32>} : memref<1x10240xf32, #tpu.memory_space<vmem>>, vector<1x10240xf32>,
    return
  }
}

module attributes {stable_mosaic.version = 14 : i64} {
  func.func @_scalemm_body(%arg0: memref<10240x128xf32, #tpu.memory_space<vmem>>, %arg1: memref<128x128xf32, #tpu.memory_space<vmem>>, %arg2: memref<10240x1xf32, #tpu.memory_space<vmem>>, %arg3: memref<10240x128xf32, #tpu.memory_space<vmem>>) attributes {dimension_semantics = [], scalar_prefetch = 0 : i64, scratch_operands = 0 : i64, tpu.core_type = #tpu.core_type<tc>} {
    %get3A = arith.constant 0 : index
    %get3A_0 = arith.constant 0 : index
    %get3A_1 = vector.load %arg0[%get3A, %get3A_0] : memref<10240x128xf32, #tpu.memory_space<vmem>>, vector<10240x128xf32>
    %get3A_2 = arith.constant 0 : index
    %get3A_3 = arith.constant 0 : index
    %get3A_4 = vector.load %arg1[%get3A_2, %get3A_3] : memref<128x128xf32, #tpu.memory_space<vmem>>, vector<128x128xf32>
    %dot_general3A = arith.constant dense<0.000000e+00> : vector<10240x128xf32>
    %dot_general3A_5 = tpu.matmul %get3A_1, %get3A_4, %dot_general3A {dimension_numbers = #tpu.dot_dimension_numbers<[1], [0], [0], [1], [0, 0, 1, 1], [], []>, transpose_lhs_hint = false} : vector<10240x128xf32>, vector<128x128xf32>, vector<10240x128xf32> -> vector<10240x128xf32>
    %get3A_6 = arith.constant 0 : index
    %get3A_7 = arith.constant 0 : index
    %get3A_8 = vector.load %arg2[%get3A_6, %get3A_7] : memref<10240x1xf32, #tpu.memory_space<vmem>>, vector<10240x1xf32>
    %mul3A = vector.broadcast %get3A_8 : vector<10240x1xf32> to vector<10240x128xf32>
    %mul3A_9 = arith.mulf %mul3A, %dot_general3A_5 : vector<10240x128xf32>
    %swap3A = arith.constant 0 : index
    %swap3A_10 = arith.constant 0 : index
    %swap3A_11 = vector.load %arg3[%swap3A, %swap3A_10] : memref<10240x128xf32, #tpu.memory_space<vmem>>, vector<10240x128xf32>
    tpu.vector_store %arg3[%swap3A, %swap3A_10], %mul3A_9 {strides = array<i32>} : memref<10240x128xf32, #tpu.memory_space<vmem>>, vector<10240x128xf32>,
    return
  }
}

module attributes {stable_mosaic.version = 14 : i64} {
  func.func @_combine_body(%arg0: memref<2x10240x128xf32, #tpu.memory_space<vmem>>, %arg1: memref<10240x128xf32, #tpu.memory_space<vmem>>, %arg2: memref<10240x1xf32, #tpu.memory_space<vmem>>, %arg3: memref<1x128xf32, #tpu.memory_space<vmem>>, %arg4: memref<128x128xf32, #tpu.memory_space<vmem>>, %arg5: memref<10240x128xf32, #tpu.memory_space<vmem>>) attributes {dimension_semantics = [], scalar_prefetch = 0 : i64, scratch_operands = 0 : i64, tpu.core_type = #tpu.core_type<tc>} {
    %get3A = arith.constant 0 : index
    %get3A_0 = arith.constant 0 : index
    %get3A_1 = arith.constant 0 : index
    %get3A_2 = vector.load %arg0[%get3A, %get3A_0, %get3A_1] : memref<2x10240x128xf32, #tpu.memory_space<vmem>>, vector<1x10240x128xf32>
    %get3A_3 = vector.shape_cast %get3A_2 : vector<1x10240x128xf32> to vector<10240x128xf32>
    %get3A_4 = arith.constant 1 : index
    %get3A_5 = arith.constant 0 : index
    %get3A_6 = arith.constant 0 : index
    %get3A_7 = vector.load %arg0[%get3A_4, %get3A_5, %get3A_6] : memref<2x10240x128xf32, #tpu.memory_space<vmem>>, vector<1x10240x128xf32>
    %get3A_8 = vector.shape_cast %get3A_7 : vector<1x10240x128xf32> to vector<10240x128xf32>
    %add3A = arith.addf %get3A_3, %get3A_8 : vector<10240x128xf32>
    %get3A_9 = arith.constant 0 : index
    %get3A_10 = arith.constant 0 : index
    %get3A_11 = vector.load %arg1[%get3A_9, %get3A_10] : memref<10240x128xf32, #tpu.memory_space<vmem>>, vector<10240x128xf32>
    %add3A_12 = arith.addf %add3A, %get3A_11 : vector<10240x128xf32>
    %get3A_13 = arith.constant 0 : index
    %get3A_14 = arith.constant 0 : index
    %get3A_15 = vector.load %arg2[%get3A_13, %get3A_14] : memref<10240x1xf32, #tpu.memory_space<vmem>>, vector<10240x1xf32>
    %mul3A = vector.broadcast %get3A_15 : vector<10240x1xf32> to vector<10240x128xf32>
    %mul3A_16 = arith.mulf %mul3A, %add3A_12 : vector<10240x128xf32>
    %get3A_17 = arith.constant 0 : index
    %get3A_18 = arith.constant 0 : index
    %get3A_19 = vector.load %arg3[%get3A_17, %get3A_18] : memref<1x128xf32, #tpu.memory_space<vmem>>, vector<1x128xf32>
    %add3A_20 = vector.broadcast %get3A_19 : vector<1x128xf32> to vector<10240x128xf32>
    %add3A_21 = arith.addf %mul3A_16, %add3A_20 : vector<10240x128xf32>
    %max3A = arith.constant 0.000000e+00 : f32
    %max3A_22 = vector.broadcast %max3A : f32 to vector<10240x128xf32>
    %max3A_23 = arith.maximumf %add3A_21, %max3A_22 : vector<10240x128xf32>
    %get3A_24 = arith.constant 0 : index
    %get3A_25 = arith.constant 0 : index
    %get3A_26 = vector.load %arg4[%get3A_24, %get3A_25] : memref<128x128xf32, #tpu.memory_space<vmem>>, vector<128x128xf32>
    %dot_general3A = arith.constant dense<0.000000e+00> : vector<10240x128xf32>
    %dot_general3A_27 = tpu.matmul %max3A_23, %get3A_26, %dot_general3A {dimension_numbers = #tpu.dot_dimension_numbers<[1], [0], [0], [1], [0, 0, 1, 1], [], []>, transpose_lhs_hint = false} : vector<10240x128xf32>, vector<128x128xf32>, vector<10240x128xf32> -> vector<10240x128xf32>
    %get3A_28 = arith.constant 0 : index
    %get3A_29 = arith.constant 0 : index
    %get3A_30 = vector.load %arg2[%get3A_28, %get3A_29] : memref<10240x1xf32, #tpu.memory_space<vmem>>, vector<10240x1xf32>
    %mul3A_31 = vector.broadcast %get3A_30 : vector<10240x1xf32> to vector<10240x128xf32>
    %mul3A_32 = arith.mulf %mul3A_31, %dot_general3A_27 : vector<10240x128xf32>
    %swap3A = arith.constant 0 : index
    %swap3A_33 = arith.constant 0 : index
    %swap3A_34 = vector.load %arg5[%swap3A, %swap3A_33] : memref<10240x128xf32, #tpu.memory_space<vmem>>, vector<10240x128xf32>
    tpu.vector_store %arg5[%swap3A, %swap3A_33], %mul3A_32 {strides = array<i32>} : memref<10240x128xf32, #tpu.memory_space<vmem>>, vector<10240x128xf32>,
    return
  }
}

module attributes {stable_mosaic.version = 14 : i64} {
  func.func @_final_body(%arg0: memref<2x10240x128xf32, #tpu.memory_space<vmem>>, %arg1: memref<10240x128xf32, #tpu.memory_space<vmem>>, %arg2: memref<10240x1xf32, #tpu.memory_space<vmem>>, %arg3: memref<1x128xf32, #tpu.memory_space<vmem>>, %arg4: memref<10240x128xf32, #tpu.memory_space<vmem>>) attributes {dimension_semantics = [], scalar_prefetch = 0 : i64, scratch_operands = 0 : i64, tpu.core_type = #tpu.core_type<tc>} {
    %get3A = arith.constant 0 : index
    %get3A_0 = arith.constant 0 : index
    %get3A_1 = arith.constant 0 : index
    %get3A_2 = vector.load %arg0[%get3A, %get3A_0, %get3A_1] : memref<2x10240x128xf32, #tpu.memory_space<vmem>>, vector<1x10240x128xf32>
    %get3A_3 = vector.shape_cast %get3A_2 : vector<1x10240x128xf32> to vector<10240x128xf32>
    %get3A_4 = arith.constant 1 : index
    %get3A_5 = arith.constant 0 : index
    %get3A_6 = arith.constant 0 : index
    %get3A_7 = vector.load %arg0[%get3A_4, %get3A_5, %get3A_6] : memref<2x10240x128xf32, #tpu.memory_space<vmem>>, vector<1x10240x128xf32>
    %get3A_8 = vector.shape_cast %get3A_7 : vector<1x10240x128xf32> to vector<10240x128xf32>
    %add3A = arith.addf %get3A_3, %get3A_8 : vector<10240x128xf32>
    %get3A_9 = arith.constant 0 : index
    %get3A_10 = arith.constant 0 : index
    %get3A_11 = vector.load %arg1[%get3A_9, %get3A_10] : memref<10240x128xf32, #tpu.memory_space<vmem>>, vector<10240x128xf32>
    %add3A_12 = arith.addf %add3A, %get3A_11 : vector<10240x128xf32>
    %get3A_13 = arith.constant 0 : index
    %get3A_14 = arith.constant 0 : index
    %get3A_15 = vector.load %arg2[%get3A_13, %get3A_14] : memref<10240x1xf32, #tpu.memory_space<vmem>>, vector<10240x1xf32>
    %mul3A = vector.broadcast %get3A_15 : vector<10240x1xf32> to vector<10240x128xf32>
    %mul3A_16 = arith.mulf %mul3A, %add3A_12 : vector<10240x128xf32>
    %get3A_17 = arith.constant 0 : index
    %get3A_18 = arith.constant 0 : index
    %get3A_19 = vector.load %arg3[%get3A_17, %get3A_18] : memref<1x128xf32, #tpu.memory_space<vmem>>, vector<1x128xf32>
    %add3A_20 = vector.broadcast %get3A_19 : vector<1x128xf32> to vector<10240x128xf32>
    %add3A_21 = arith.addf %mul3A_16, %add3A_20 : vector<10240x128xf32>
    %swap3A = arith.constant 0 : index
    %swap3A_22 = arith.constant 0 : index
    %swap3A_23 = vector.load %arg4[%swap3A, %swap3A_22] : memref<10240x128xf32, #tpu.memory_space<vmem>>, vector<10240x128xf32>
    tpu.vector_store %arg4[%swap3A, %swap3A_22], %add3A_21 {strides = array<i32>} : memref<10240x128xf32, #tpu.memory_space<vmem>>, vector<10240x128xf32>,
    return
  }
}

</mosaic_0001>

<sc_bundles>
// kernel: kernel.12.cloned.1.call-start
scs
__scs_entry_jumppad:
0x0: {  	(pc) =	sbr.rel $0x88, $3  }
0x1: {  	(tag) =	ssettag $0x0;
	lr =	simm.s32 $0x1  }
0x2: {  	[smem:$0x3F9A] =	sst lr;
	_ =	strace $0xD0000000  }
0x3: {  	_ = 	snop  }
0x4: {  	_ = 	snop  }
0x5: {  	_ = 	snop  }
0x6: {  	_ = 	snop  }
0x7: {  	_ = 	snop  }
__scs_overlays_trampoline_lowered:
0x8: {  	[smem:$0x3FA9] =	sst s0  }
0x9: {  	[smem:$0x3FAA] =	sst s1  }
0xa: {  	[smem:$0x3FAB] =	sst s2  }
0xb: {  	[smem:$0x3FAC] =	sst s3  }
0xc: {  	[smem:$0x3FAD] =	sst s4  }
0xd: {  	[smem:$0x3FAE] =	sst s5  }
0xe: {  	[smem:$0x3FAF] =	sst s6  }
0xf: {  	[smem:$0x3FB0] =	sst s7  }
0x10: {  	[smem:$0x3FB1] =	sst s8  }
0x11: {  	[smem:$0x3FB2] =	sst s9;
	s0 =	simm.s32 @!p0 $0x0  }
0x12: {  	s1 =	sld [smem:$0x3F98];
	s0 =	simm.s32 @p0 $0x1  }
0x13: {  	[smem:$0x3FB3] =	sst s0;
	s0 =	simm.s32 @!p1 $0x0  }
0x14: {  	s2 =	sld [smem:$0x3F97];
	s0 =	simm.s32 @p1 $0x1  }
0x15: {  	[smem:$0x3FB4] =	sst s0;
	s0 =	simm.s32 @!p2 $0x0  }
0x16: {  	s3 =	sld [smem:$0x3FDB];
	s0 =	simm.s32 @p2 $0x1  }
0x17: {  	s4 =	simm.s32 $0x1BF5;
	[smem:$0x3FB6] =	sst s0  }
0x18: {  	s0 =	sld [smem:$0x3F99];
	_ =	swait.ge [sflag:s4], $0x0  }
0x19: {  	s7 =	sld [smem:$0x3F9A]  }
0x1a: {  	s8 =	sadd.s32 $0xFFFFE003, lr  }
0x1b: {  	s9 =	sadd.s32 $0xFFFFFEF7, lr;
	s5 =	simm.s32 $0xFFFFFFFF;
	p2 =	slt.u32 s8, $0xFFFFF086  }
0x1c: {  	p1 =	slt.u32 s9, $0xF7A;
	s5 =	simm.s32 @!p2 $0x0  }
0x1d: {  	s5 =	simm.s32 @p1 $0x1;
	p0 =	seq.s32 s7, s2  }
0x1e: {  	s7 =	smul.u32 @!p0 $0xF7A, s2;
	p2 =	seq.s32 @!p0 s5, $0x0  }
0x1f: {  	s9 =	smul.u32 $0xF7A, s1;
	s8 =	simm.s32 @!p0 $0x1BF5;
	p2 =	por !p2, p0  }
0x20: {  	[sflag:s8] =	ssyncset.s32 @!p0 $0xFFFFF086;
	s6 =	sadd.s32 @!p0 s3, s7;
	s7 =	simm.s32 @!p0 $0x108  }
0x21: {  	s3 =	sadd.s32 s3, s9;
	s6 =	sadd.s32 @!p0 $0x88, s6;
	s7 =	simm.s32 @p2 $0x1082  }
0x22: {  	[simem:s7], [sflag:s8] =	dma.local @!p0 [hbm:s6], $0xF7A  }
0x23: {  	s9 =	sor.u32 $0xD0000000, s2;
	s6 =	simm.s32 $0x108;
	_ =	swait.ge @!p0 [sflag:s8], $0x0  }
0x24: {  	s3 =	sadd.s32 $0x88, s3;
	s6 =	simm.s32 @!p1 $0x1082;
	[sflag:s4] =	ssyncset.s32 $0xFFFFF086  }
0x25: {  	[simem:s6], [sflag:s4] =	dma.local [hbm:s3], $0xF7A  }
0x26: {  	[smem:$0x3F9A] =	sst s1;
	(tag) =	ssettag s2;
	_ =	strace s9  }
0x27: {  	s1 =	sld [smem:$0x3FAA]  }
0x28: {  	s2 =	sld [smem:$0x3FAB]  }
0x29: {  	s4 =	sld [smem:$0x3FAD]  }
0x2a: {  	p0 =	seq.s32 s5, $0x0;
	s5 =	sld [smem:$0x3FAE]  }
0x2b: {  	s6 =	sld [smem:$0x3FAF]  }
0x2c: {  	s7 =	sld [smem:$0x3FB0]  }
0x2d: {  	s3 =	simm.s32 $0x108;
	s8 =	sld [smem:$0x3FB1]  }
0x2e: {  	s3 =	simm.s32 @!p0 $0x1082;
	s9 =	sld [smem:$0x3FB2]  }
0x2f: {  	lr =	sadd.s32 s0, s3;
	s0 =	sld [smem:$0x3FA9]  }
0x30: {  	s3 =	sld [smem:$0x3FAC]  }
0x31: {  	[smem:$0x3FB5] =	sst s10  }
0x32: {  	s10 =	sld [smem:$0x3FB3];
	_ =	sdelay $0x3  }
0x33: {  	p0 =	seq.s32 s10, $0x1;
	s10 =	sld [smem:$0x3FB5];
	_ =	sdelay $0x3  }
0x34: {  	[smem:$0x3FB5] =	sst s10  }
0x35: {  	s10 =	sld [smem:$0x3FB4];
	_ =	sdelay $0x3  }
0x36: {  	p1 =	seq.s32 s10, $0x1;
	s10 =	sld [smem:$0x3FB5];
	_ =	sdelay $0x3  }
0x37: {  	[smem:$0x3FB5] =	sst s10  }
0x38: {  	s10 =	sld [smem:$0x3FB6]  }
0x39: {  	_ = 	snop;
	(pc) =	sbr.ind lr, $3  }
0x3a: {  	_ = 	snop  }
0x3b: {  	_ = 	snop  }
0x3c: {  	p2 =	seq.s32 s10, $0x1;
	s10 =	sld [smem:$0x3FB5]  }
0x3d: {  	_ =	shalt  }
0x3e: {  	_ =	shalt  }
0x3f: {  	_ =	shalt  }
0x40: {  	_ =	shalt  }
0x41: {  	_ =	shalt  }
0x42: {  	_ =	shalt  }
0x43: {  	_ =	shalt  }
0x44: {  	_ =	shalt  }
0x45: {  	_ =	shalt  }
0x46: {  	_ =	shalt  }
0x47: {  	_ =	shalt  }
0x48: {  	_ =	shalt  }
0x49: {  	_ =	shalt  }
0x4a: {  	_ =	shalt  }
0x4b: {  	_ =	shalt  }
0x4c: {  	_ =	shalt  }
0x4d: {  	_ =	shalt  }
0x4e: {  	_ =	shalt  }
0x4f: {  	_ =	shalt  }
0x50: {  	_ =	shalt  }
0x51: {  	_ =	shalt  }
0x52: {  	_ =	shalt  }
0x53: {  	_ =	shalt  }
0x54: {  	_ =	shalt  }
0x55: {  	_ =	shalt  }
0x56: {  	_ =	shalt  }
0x57: {  	_ =	shalt  }
0x58: {  	_ =	shalt  }
0x59: {  	_ =	shalt  }
0x5a: {  	_ =	shalt  }
0x5b: {  	_ =	shalt  }
0x5c: {  	_ =	shalt  }
0x5d: {  	_ =	shalt  }
0x5e: {  	_ =	shalt  }
0x5f: {  	_ =	shalt  }
0x60: {  	_ =	shalt  }
0x61: {  	_ =	shalt  }
0x62: {  	_ =	shalt  }
0x63: {  	_ =	shalt  }
0x64: {  	_ =	shalt  }
0x65: {  	_ =	shalt  }
0x66: {  	_ =	shalt  }
0x67: {  	_ =	shalt  }
0x68: {  	_ =	shalt  }
0x69: {  	_ =	shalt  }
0x6a: {  	_ =	shalt  }
0x6b: {  	_ =	shalt  }
0x6c: {  	_ =	shalt  }
0x6d: {  	_ =	shalt  }
0x6e: {  	_ =	shalt  }
0x6f: {  	_ =	shalt  }
0x70: {  	_ =	shalt  }
0x71: {  	_ =	shalt  }
0x72: {  	_ =	shalt  }
0x73: {  	_ =	shalt  }
0x74: {  	_ =	shalt  }
0x75: {  	_ =	shalt  }
0x76: {  	_ =	shalt  }
0x77: {  	_ =	shalt  }
0x78: {  	_ =	shalt  }
0x79: {  	_ =	shalt  }
0x7a: {  	_ =	shalt  }
0x7b: {  	_ =	shalt  }
0x7c: {  	_ =	shalt  }
0x7d: {  	_ =	shalt  }
0x7e: {  	_ =	shalt  }
0x7f: {  	_ =	shalt  }
0x80: {  	_ =	shalt  }
0x81: {  	_ =	shalt  }
0x82: {  	_ =	shalt  }
0x83: {  	_ =	shalt  }
0x84: {  	_ =	shalt  }
0x85: {  	_ =	shalt  }
0x86: {  	_ =	shalt  }
0x87: {  	_ =	shalt  }
.Lfunc_end0:
.L_simem_size_0:
called_computation.1_lowered:
.L_overlay_start_0:
0x88: {  	s2 =	sld [smem:$0x3FD9]  }
0x89: {  	s3 =	sld [smem:$0x3FFE];
	_ =	sdelay $0x1  }
0x8a: {  	s1 =	srdreg.scid  }
0x8b: {  	s0 =	sand.u32 $0x1, s1  }
0x8c: {  	s17 =	sshll.u32 s0, $0xA;
	s2 =	sadd.s32 s3, s2  }
0x8d: {  	s2 =	sadd.s32 s2, s17  }
0x8e: {  	[smem:$0x3FC1] =	sst s2  }
0x8f: {  	_ = 	snop  }
0x90: {  	s2 =	sld [smem:$0x3FD0];
	(tm) =	ssettm $0x1  }
0x91: {  	s18 =	sld [smem:$0x3FFB];
	_ =	sdelay $0x3  }
0x92: {  	_ =	strace s18  }
0x93: {  	s3 =	sld [smem:$0x3FFC];
	_ =	sdelay $0x3  }
0x94: {  	_ =	strace s3  }
0x95: {  	s3 =	sld [smem:$0x3FFD];
	_ =	sdelay $0x3  }
0x96: {  	_ =	strace s3  }
0x97: {  	_ =	strace $0x8FFFFFFF  }
0x98: {  	s19 =	sld [smem:$0x3FDB];
	_ =	sdelay $0x1  }
0x99: {  	s4 =	simm.s32 $_scs_section_size  }
0x9a: {  	s5 =	simm.s32 $_size__tile_overlayer_lowered;
	s6 =	simm.s32 $_tile_overlayer_lowered  }
0x9b: {  	s22 =	simm.s32 $0x1BFF;
	s21 =	sshll.u32 s6, $0x1;
	s3 =	sadd.s32 s4, s19  }
0x9c: {  	s7 =	simm.s32 $0x0;
	s20 =	sshll.u32 s5, $0x1;
	s5 =	sadd.s32 s21, s3  }
0x9d: {  	[timem:s7], [sflag:s22] =	dma.local [hbm:s5], s20  }
0x9e: {  	_ =	swait.ge [sflag:s22], s20  }
0x9f: {  	s4 =	ssub.s32 $0x0, s20;
	[sflag:s22] =	ssyncset.done $0x0  }
0xa0: {  	[sflag:s22] =	ssyncadd.s32 s4;
	_ =	sdelay $0x1  }
0xa1: {  	s23 =	simm.s32 $0x1B8B  }
0xa2: {  	_ =	swait.ge [sflag:s23], $0x1  }
0xa3: {  	[sflag:s23] =	ssyncset.done $0x0  }
0xa4: {  	s25 =	simm.s32 $0x1B8E;
	s24 =	sld [smem:$0x3FFE];
	[sflag:s23] =	ssyncadd.s32 $0xFFFFFFFF  }
0xa5: {  	s26 =	simm.s32 $execute0_lowered;
	[smem:$0x3FD2] =	sst s25  }
0xa6: {  	s5 =	sshll.u32 s26, $0x1;
	_ =	strace $0x80000049;
	[dreg:$0x1] =	wrdreg $0xFFFFFFFF  }
0xa7: {  	s28 =	simm.s32 $_size_execute0_lowered;
	s3 =	sadd.s32 s3, s5;
	[dreg:$0x0] =	wrdreg $0x0  }
0xa8: {  	s5 =	sshll.u32 s28, $0x1;
	[dreg:$0x2] =	wrdreg s3  }
0xa9: {  	[dreg:$0x3] =	wrdreg s5  }
0xaa: {  	[dreg:$0x4] =	wrdreg $0xC0  }
0xab: {  	_ =	task [dreg:s7], $0x5FFFF  }
0xac: {  	[dreg:$0x1] =	wrdreg $0xFFFFFFFF  }
0xad: {  	[dreg:$0x0] =	wrdreg $0x60  }
0xae: {  	[dreg:$0x2] =	wrdreg s24  }
0xaf: {  	[dreg:$0x3] =	wrdreg s2  }
0xb0: {  	[dreg:$0x4] =	wrdreg $0xB7800  }
0xb1: {  	[dreg:$0x5] =	wrdreg $0x9  }
0xb2: {  	_ =	task.clear_ibuf [dreg:s7], $0x6FFFF;
	_ =	strace $0x90000049  }
0xb3: {  	s29 =	simm.s32 $0x9;
	_ =	strace $0x8000004B  }
0xb4: {  	_ =	swait.ge [sflag:s29], $0x1  }
0xb5: {  	[sflag:s29] =	ssyncadd.s32 $0xFFFFFFFF  }
0xb6: {  	_ =	strace $0x9000004B  }
0xb7: {  	_ =	sfence  }
0xb8: {  	s30 =	sld [smem:$0x0];
	_ =	sdelay $0x2  }
0xb9: {  	s31 =	sshll.u32 s1, $0xD;
	s1 =	sshrl.u32 s1, $0x2  }
0xba: {  	s3 =	sand.u32 $0x4000, s31;
	s1 =	sadd.s32 s1, s30  }
0xbb: {  	s0 =	sor.u32 s3, s0;
	s1 =	sshll.u32 s1, $0x11  }
0xbc: {  	s0 =	sor.u32 s1, s0  }
0xbd: {  	s0 =	sadd.s32 $0x8F2B, s0  }
0xbe: {  	[sflag:s0] =	ssyncadd.remote.s32 $0x1  }
0xbf: {  	_ =	sfence.sel $0xFFFF  }
0xc0: {  	[dreg:$0x0] =	wrdreg $0xFFFFFFFF;
	(pc) =	sbr.abs _section_cstart, $3  }
0xc1: {  	[dreg:$0x1] =	wrdreg $0xFFFFFFFF  }
0xc2: {  	_ =	task.clear_ibuf [dreg:s7], $0x2FFFF;
	_ =	strace $0x9FFFFFFF  }
0xc3: {  	(tm) =	ssettm $0x7FFFFFFF  }
tec
execute0_lowered:
.L_overlay_start_1:
0x0: {  	(tag) =	ssettag $0x1  }
0x1: {  	s1 =	srdreg.scid;
	s5 =	rddreg [dreg:$0x0]  }
0x2: {  	s0 =	stileid.u32;
	s7 =	rddreg [dreg:$0x1]  }
0x3: {  	s2 =	rddreg [dreg:$0x2];
	s3 =	simm.s32 $0x0;
	s16 =	simm.s32 $0x2800  }
0x4: {  	s17 =	simm.s32 $0x80;
	s18 =	simm.s32 $0x400;
	s19 =	simm.s32 $0x5000  }
0x5: {  	s20 =	simm.s32 $0x7780;
	s21 =	simm.s32 $0x0;
	s12 =	smul.u32 $0x14000, s0  }
0x6: {  	s6 =	sand.u32 $0x1, s1;
	s9 =	sshrl.u32 s0, $0x2;
	s29 =	smul.u32 $0x50000, s0  }
0x7: {  	s28 =	sshll.u32 s0, $0x1;
	s1 =	rddreg [dreg:$0x3];
	s9 =	smul.u32 $0x13C00, s9  }
0x8: {  	[smem:$0x7FF] =	sst s3;
	s4 =	sor.u32 s6, s28;
	s10 =	smul.u32 $0x140000, s6  }
0x9: {  	_ =	strace $0x8000004A;
	s6 =	ssub.s32 $0x2, s6;
	s8 =	smul.u32 $0x500, s4  }
0xa: {  	s4 =	sshll.u32 s4, $0x7;
	s30 =	sshrl.u32 s6, $0x1;
	s31 =	sshrl.u32 s29, $0x2  }
0xb: {  	s11 =	sand.u32 $0x380, s4;
	s4 =	sadd.s32 $0x29C00, s5;
	s10 =	sadd.s32 s12, s10  }
0xc: {  	s15 =	ssub.s32 s6, s30;
	s6 =	sadd.s32 s31, s2;
	s13 =	sadd.s32 s8, s5  }
0xd: {  	s9 =	sor.u32 s9, s11;
	s10 =	sshrl.u32 s10, $0x3;
	s11 =	sadd.s32 $0xC000, s6  }
0xe: {  	s12 =	sadd.s32 $0x10000, s6;
	s9 =	sshrl.u32 s9, $0x3;
	s14 =	sadd.s32 s10, s5  }
0xf: {  	s10 =	sadd.s32 $0x8000, s6;
	s9 =	sadd.s32 s9, s5;
	s5 =	sadd.s32 s7, s8  }
0x10: {  	s7 =	sadd.s32 $0x1FC00, s13;
	s13 =	sadd.s32 $0x51C00, s14;
	s14 =	smax.u32 s15, $0x1  }
0x11: {  	v0 =	vimm.f32 $0.0e+00;
	s15 =	simm.s32 $0x1;
	s8 =	sadd.s32 $0x2000, s9;
	s9 =	sadd.s32 $0x4000, s6  }
.LBB2_1:
0x12: {  	[tilespmem:s3], [sflag:$0x1] =	stream.linear.gather [hbm4b:s5+s3], $0x2780, $0x38;
	[tilespmem:$0x1F780] =	vst v63  }
0x13: {  	_ =	swait.ge [sflag:s15], $0x2780  }
0x14: {  	[sflag:s15] =	ssyncset.done $0x0  }
0x15: {  	[sflag:s15] =	ssyncadd.s32 $0xFFFFD880  }
0x16: {  	[tilespmem:s16], [sflag:$0x1] =	stream.linear.gather [hbm4b:s7+s3], $0x2780, $0x38;
	[tilespmem:$0x1F780] =	vst v63  }
0x17: {  	_ =	swait.ge [sflag:s15], $0x2780  }
0x18: {  	[sflag:s15] =	ssyncset.done $0x0  }
0x19: {  	[sflag:s15] =	ssyncadd.s32 $0xFFFFD880  }
0x1a: {  	[tilespmem:s19], [sflag:$0x1] =	stream.strided.gather [hbm4b:s8+s17], $0x2780, s18, s17, $0x38;
	[tilespmem:$0x1F780] =	vst v63  }
0x1b: {  	s22 =	sand.u32 $0xFE00, s3;
	s23 =	sand.u32 $0x70, s3;
	_ =	swait.ge [sflag:s15], $0x2780  }
0x1c: {  	s24 =	sshrl.u32 s22, $0x2;
	s22 =	simm.s32 $0x40;
	[sflag:s15] =	ssyncset.done $0x0  }
0x1d: {  	s24 =	sor.u32 s23, s24;
	s23 =	simm.s32 $0x0;
	[sflag:s15] =	ssyncadd.s32 $0xFFFFD880  }
.LBB2_2:
0x1e: {  	p0 =	sne.s32 s22, $0xFFC0  }
0x1f: {  	[tilespmem:s24+$0x7780] =	vst v0;
	s23 =	sadd.s32 $0x10, s23;
	s24 =	smov.u32 s22;
	s22 =	sadd.s32 $0x40, s22  }
.Ltmp0:
0x20: {  	(pc) =	sbr.rel @p0 .LBB2_2-.Ltmp0, $4  }
0x21: {  	_ = 	snop  }
0x22: {  	s24 =	sand.u32 $0xFE00, s24  }
0x23: {  	s25 =	sand.u32 $0x70, s23;
	s24 =	sshrl.u32 s24, $0x2  }
0x24: {  	s24 =	sor.u32 s25, s24  }
0x25: {  	[tilespmem:s24+$0x7780] =	vst v0  }
0x26: {  	[spmem:s6] =	stream.linear.scatter [tilespmem:s20], [sflag:$0x1], $0x4000, $0x38;
	[tilespmem:$0x1F780] =	vst v63  }
0x27: {  	_ =	swait.ge [sflag:s15], $0x4000  }
0x28: {  	[sflag:s15] =	ssyncset.done $0x0  }
0x29: {  	[sflag:s15] =	ssyncadd.s32 $0xFFFFC000  }
0x2a: {  	[spmem:s9] =	stream.linear.scatter [tilespmem:s20], [sflag:$0x1], $0x4000, $0x38;
	[tilespmem:$0x1F780] =	vst v63  }
0x2b: {  	_ =	swait.ge [sflag:s15], $0x4000  }
0x2c: {  	[sflag:s15] =	ssyncset.done $0x0  }
0x2d: {  	[sflag:s15] =	ssyncadd.s32 $0xFFFFC000  }
0x2e: {  	[spmem:s10] =	stream.linear.scatter [tilespmem:s20], [sflag:$0x1], $0x4000, $0x38;
	[tilespmem:$0x1F780] =	vst v63  }
0x2f: {  	_ =	swait.ge [sflag:s15], $0x4000  }
0x30: {  	[sflag:s15] =	ssyncset.done $0x0  }
0x31: {  	[sflag:s15] =	ssyncadd.s32 $0xFFFFC000  }
0x32: {  	[spmem:s11] =	stream.linear.scatter [tilespmem:s20], [sflag:$0x1], $0x4000, $0x38;
	[tilespmem:$0x1F780] =	vst v63  }
0x33: {  	_ =	swait.ge [sflag:s15], $0x4000  }
0x34: {  	[sflag:s15] =	ssyncset.done $0x0  }
0x35: {  	[sflag:s15] =	ssyncadd.s32 $0xFFFFC000  }
0x36: {  	[spmem:s12] =	stream.linear.scatter [tilespmem:s20], [sflag:$0x1], $0x4000, $0x38;
	[tilespmem:$0x1F780] =	vst v63  }
0x37: {  	_ =	swait.ge [sflag:s15], $0x4000  }
0x38: {  	[sflag:s15] =	ssyncset.done $0x0  }
0x39: {  	[sflag:s15] =	ssyncadd.s32 $0xFFFFC000  }
0x3a: {  	s22 =	simm.s32 $0x0;
	s23 =	simm.s32 $0x0;
	[bflag:$0x0] =	sbarrier.arrive $0xFFFF  }
.LBB2_4:
0x3b: {  	s24 =	sshll.u32 s23, $0x7  }
0x3c: {  	[tilespmem:s20], [sflag:$0x1] =	stream.indirect.gather [hbm4b:s4+s17], $0x80, s24, s17, $0xb8;
	[tilespmem:$0x1F780] =	vst v63  }
0x3d: {  	s25 =	sadd.s32 $0x0, s22;
	_ =	swait.ge [sflag:s15], $0x4000  }
0x3e: {  	v1 =	vmov s25;
	[sflag:s15] =	ssyncset.done $0x0  }
0x3f: {  	s25 =	simm.s32 $0x77C0;
	[sflag:s15] =	ssyncadd.s32 $0xFFFFC000  }
0x40: {  	v5 =	vld [tilespmem:s25+$0x30]  }
0x41: {  	v8 =	vld [tilespmem:s25+$0x10]  }
0x42: {  	v6 =	vld [tilespmem:s25+$0xFFFFFFC0]  }
0x43: {  	v2 =	vld.idx.msk [tilespmem:v1+s19+$0x0], $0xffff  }
0x44: {  	v10 =	vld [tilespmem:s25+$0xFFFFFFE0]  }
0x45: {  	v3 =	vld [tilespmem:s25+$0x20]  }
0x46: {  	v4 =	vld [tilespmem:s25+$0xFFFFFFD0]  }
0x47: {  	v1 =	vld [tilespmem:s25+$0xFFFFFFF0]  }
0x48: {  	v9 =	vmul.f32 v5, v2;
	v5 =	vld [tilespmem:s25+$0x0]  }
0x49: {  	v7 =	vmul.f32 v6, v2  }
0x4a: {  	s26 =	simm.s32 $0x1;
	s28 =	simm.s32 $0x77C0;
	v6 =	vmul.f32 v10, v2;
	v8 =	vmul.f32 v8, v2  }
.LBB2_5:
0x4b: {  	p0 =	sne.s32 s26, $0x7F  }
0x4c: {  	v4 =	vmul.f32 v4, v2;
	v3 =	vmul.f32 v3, v2;
	[tilespmem:s25+$0x30] =	vst v9;
	s28 =	sadd.s32 $0x80, s28;
	s29 =	smov.u32 s26;
	s26 =	sadd.s32 $0x1, s26  }
0x4d: {  	[tilespmem:s25+$0xFFFFFFC0] =	vst v7;
	v7 =	vmul.f32 v1, v2;
	v2 =	vmul.f32 v5, v2  }
0x4e: {  	s29 =	sadd.s32 s29, s22;
	[tilespmem:s25+$0x10] =	vst v8  }
0x4f: {  	v5 =	vmov s29;
	[tilespmem:s25+$0xFFFFFFE0] =	vst v6  }
0x50: {  	v1 =	vld [tilespmem:s28+$0xFFFFFFF0];
	[tilespmem:s25+$0xFFFFFFF0] =	vst v7  }
0x51: {  	v6 =	vld [tilespmem:s28+$0x30];
	[tilespmem:s25+$0x0] =	vst v2  }
0x52: {  	v8 =	vld [tilespmem:s28+$0x10];
	[tilespmem:s25+$0x20] =	vst v3  }
0x53: {  	v7 =	vld [tilespmem:s28+$0xFFFFFFC0];
	[tilespmem:s25+$0xFFFFFFD0] =	vst v4;
	s25 =	smov.u32 s28  }
0x54: {  	v2 =	vld.idx.msk [tilespmem:v5+s19+$0x0], $0xffff  }
0x55: {  	v10 =	vld [tilespmem:s28+$0xFFFFFFE0]  }
0x56: {  	v3 =	vld [tilespmem:s28+$0x20]  }
.Ltmp1:
0x57: {  	v4 =	vld [tilespmem:s28+$0xFFFFFFD0];
	(pc) =	sbr.rel @p0 .LBB2_5-.Ltmp1, $3  }
0x58: {  	v5 =	vld [tilespmem:s28+$0x0];
	_ =	sdelay $0x1  }
0x59: {  	v7 =	vmul.f32 v7, v2;
	v9 =	vmul.f32 v6, v2  }
0x5a: {  	v8 =	vmul.f32 v8, v2;
	v6 =	vmul.f32 v10, v2  }
0x5b: {  	[tilespmem:s25+$0x30] =	vst v9  }
0x5c: {  	[tilespmem:s25+$0xFFFFFFC0] =	vst v7  }
0x5d: {  	v1 =	vmul.f32 v1, v2;
	[tilespmem:s25+$0x10] =	vst v8  }
0x5e: {  	v3 =	vmul.f32 v3, v2;
	[tilespmem:s25+$0xFFFFFFE0] =	vst v6  }
0x5f: {  	v5 =	vmul.f32 v5, v2;
	[tilespmem:s25+$0xFFFFFFF0] =	vst v1  }
0x60: {  	s23 =	sadd.s32 $0x1, s23;
	v1 =	vmul.f32 v4, v2;
	[tilespmem:s25+$0x20] =	vst v3  }
0x61: {  	p0 =	sne.s32 s23, $0x4F;
	[tilespmem:s25+$0x0] =	vst v5  }
.Ltmp2:
0x62: {  	s24 =	sadd.s32 $0x2800, s24;
	[tilespmem:s25+$0xFFFFFFD0] =	vst v1;
	(pc) =	sbr.rel @p0 .LBB2_4-.Ltmp2, $4  }
0x63: {  	[spmem:s2] =	stream.indirect.scatter.add.f32 [tilespmem:s20], [sflag:$0x1], $0x80, s24, s17, $0xb8;
	[tilespmem:$0x1F780] =	vst v63  }
0x64: {  	_ =	swait.ge [sflag:s15], $0x4000  }
0x65: {  	[sflag:s15] =	ssyncset.done $0x0  }
0x66: {  	s22 =	sadd.s32 $0x80, s22;
	[sflag:s15] =	ssyncadd.s32 $0xFFFFC000  }
0x67: {  	s21 =	sadd.s32 $0x1, s21  }
0x68: {  	s22 =	sshll.u32 s0, $0x6;
	[bflag:$0x0] =	sbarrier.arrive $0xFFFF;
	p0 =	sne.s32 s21, s14  }
.Ltmp3:
0x69: {  	s23 =	sshrl.u32 s6, $0x3;
	s22 =	sor.u32 $0x1C01, s22;
	(pc) =	sbr.rel @p0 .LBB2_1-.Ltmp3, $4  }
0x6a: {  	[hbm:s13], [sflag:s22] =	dma.local [spmem:s23], $0x2800  }
0x6b: {  	_ =	swait.ge [sflag:s15], $0x2800  }
0x6c: {  	[sflag:s15] =	ssyncset.done $0x0  }
0x6d: {  	[sflag:s15] =	ssyncadd.s32 $0xFFFFD800  }
0x6e: {  	_ =	sfence.sel $0x180000  }
0x6f: {  	[bflag:$0x0] =	sbarrier.arrive $0xFFFF  }
0x70: {  	p0 =	sne.s32 s0, $0x0;
	_ =	strace $0x9000004A  }
0x71: {  	s0 =	sadd.s32 @!p0 $0x100000, s1;
	[bflag:$0x2] =	sbarrier.arrive $0xFFFF  }
0x72: {  	[sflag:s0] =	ssyncadd.tile.s32 @!p0 $0x1;
	_ =	shalt  }
.Lfunc_end2:
_tile_overlayer_lowered:
.L_overlay_start_2:
0x73: {  	(tag) =	ssettag $0x2  }
0x74: {  	s0 =	rddreg [dreg:$0x0];
	s2 =	stileid.u32  }
0x75: {  	s1 =	rddreg [dreg:$0x1];
	p0 =	sne.s32 s2, $0x0  }
0x76: {  	s3 =	rddreg [dreg:$0x2];
	[bflag:$0x3] =	sbarrier.arrive $0xFFFF;
	s2 =	simm.s32 @!p0 $0x1C01  }
0x77: {  	[timem:s3], [sflag:s2] =	dma.local @!p0 [hbm:s0], s1  }
0x78: {  	s0 =	simm.s32 @!p0 $0x1  }
0x79: {  	_ =	swait.ge @!p0 [sflag:s0], s1  }
0x7a: {  	s1 =	ssub.s32 @!p0 $0x0, s1;
	[sflag:s0] =	ssyncset.done @!p0 $0x0  }
0x7b: {  	[sflag:s0] =	ssyncadd.s32 @!p0 s1  }
0x7c: {  	[bflag:$0x3] =	sbarrier.arrive $0xFFFF  }
0x7d: {  	_ =	shalt  }

// kernel: kernel.15.cloned.1.call-start
scs
__scs_entry_jumppad:
0x0: {  	(pc) =	sbr.rel $0x88, $3  }
0x1: {  	(tag) =	ssettag $0x0;
	lr =	simm.s32 $0x1  }
0x2: {  	[smem:$0x3F9A] =	sst lr;
	_ =	strace $0xD0000000  }
0x3: {  	_ = 	snop  }
0x4: {  	_ = 	snop  }
0x5: {  	_ = 	snop  }
0x6: {  	_ = 	snop  }
0x7: {  	_ = 	snop  }
__scs_overlays_trampoline_lowered:
0x8: {  	[smem:$0x3FA9] =	sst s0  }
0x9: {  	[smem:$0x3FAA] =	sst s1  }
0xa: {  	[smem:$0x3FAB] =	sst s2  }
0xb: {  	[smem:$0x3FAC] =	sst s3  }
0xc: {  	[smem:$0x3FAD] =	sst s4  }
0xd: {  	[smem:$0x3FAE] =	sst s5  }
0xe: {  	[smem:$0x3FAF] =	sst s6  }
0xf: {  	[smem:$0x3FB0] =	sst s7  }
0x10: {  	[smem:$0x3FB1] =	sst s8  }
0x11: {  	[smem:$0x3FB2] =	sst s9;
	s0 =	simm.s32 @!p0 $0x0  }
0x12: {  	s1 =	sld [smem:$0x3F98];
	s0 =	simm.s32 @p0 $0x1  }
0x13: {  	[smem:$0x3FB3] =	sst s0;
	s0 =	simm.s32 @!p1 $0x0  }
0x14: {  	s2 =	sld [smem:$0x3F97];
	s0 =	simm.s32 @p1 $0x1  }
0x15: {  	[smem:$0x3FB4] =	sst s0;
	s0 =	simm.s32 @!p2 $0x0  }
0x16: {  	s3 =	sld [smem:$0x3FDB];
	s0 =	simm.s32 @p2 $0x1  }
0x17: {  	s4 =	simm.s32 $0x1BF5;
	[smem:$0x3FB6] =	sst s0  }
0x18: {  	s0 =	sld [smem:$0x3F99];
	_ =	swait.ge [sflag:s4], $0x0  }
0x19: {  	s7 =	sld [smem:$0x3F9A]  }
0x1a: {  	s8 =	sadd.s32 $0xFFFFE003, lr  }
0x1b: {  	s9 =	sadd.s32 $0xFFFFFEF7, lr;
	s5 =	simm.s32 $0xFFFFFFFF;
	p2 =	slt.u32 s8, $0xFFFFF086  }
0x1c: {  	p1 =	slt.u32 s9, $0xF7A;
	s5 =	simm.s32 @!p2 $0x0  }
0x1d: {  	s5 =	simm.s32 @p1 $0x1;
	p0 =	seq.s32 s7, s2  }
0x1e: {  	s7 =	smul.u32 @!p0 $0xF7A, s2;
	p2 =	seq.s32 @!p0 s5, $0x0  }
0x1f: {  	s9 =	smul.u32 $0xF7A, s1;
	s8 =	simm.s32 @!p0 $0x1BF5;
	p2 =	por !p2, p0  }
0x20: {  	[sflag:s8] =	ssyncset.s32 @!p0 $0xFFFFF086;
	s6 =	sadd.s32 @!p0 s3, s7;
	s7 =	simm.s32 @!p0 $0x108  }
0x21: {  	s3 =	sadd.s32 s3, s9;
	s6 =	sadd.s32 @!p0 $0x88, s6;
	s7 =	simm.s32 @p2 $0x1082  }
0x22: {  	[simem:s7], [sflag:s8] =	dma.local @!p0 [hbm:s6], $0xF7A  }
0x23: {  	s9 =	sor.u32 $0xD0000000, s2;
	s6 =	simm.s32 $0x108;
	_ =	swait.ge @!p0 [sflag:s8], $0x0  }
0x24: {  	s3 =	sadd.s32 $0x88, s3;
	s6 =	simm.s32 @!p1 $0x1082;
	[sflag:s4] =	ssyncset.s32 $0xFFFFF086  }
0x25: {  	[simem:s6], [sflag:s4] =	dma.local [hbm:s3], $0xF7A  }
0x26: {  	[smem:$0x3F9A] =	sst s1;
	(tag) =	ssettag s2;
	_ =	strace s9  }
0x27: {  	s1 =	sld [smem:$0x3FAA]  }
0x28: {  	s2 =	sld [smem:$0x3FAB]  }
0x29: {  	s4 =	sld [smem:$0x3FAD]  }
0x2a: {  	p0 =	seq.s32 s5, $0x0;
	s5 =	sld [smem:$0x3FAE]  }
0x2b: {  	s6 =	sld [smem:$0x3FAF]  }
0x2c: {  	s7 =	sld [smem:$0x3FB0]  }
0x2d: {  	s3 =	simm.s32 $0x108;
	s8 =	sld [smem:$0x3FB1]  }
0x2e: {  	s3 =	simm.s32 @!p0 $0x1082;
	s9 =	sld [smem:$0x3FB2]  }
0x2f: {  	lr =	sadd.s32 s0, s3;
	s0 =	sld [smem:$0x3FA9]  }
0x30: {  	s3 =	sld [smem:$0x3FAC]  }
0x31: {  	[smem:$0x3FB5] =	sst s10  }
0x32: {  	s10 =	sld [smem:$0x3FB3];
	_ =	sdelay $0x3  }
0x33: {  	p0 =	seq.s32 s10, $0x1;
	s10 =	sld [smem:$0x3FB5];
	_ =	sdelay $0x3  }
0x34: {  	[smem:$0x3FB5] =	sst s10  }
0x35: {  	s10 =	sld [smem:$0x3FB4];
	_ =	sdelay $0x3  }
0x36: {  	p1 =	seq.s32 s10, $0x1;
	s10 =	sld [smem:$0x3FB5];
	_ =	sdelay $0x3  }
0x37: {  	[smem:$0x3FB5] =	sst s10  }
0x38: {  	s10 =	sld [smem:$0x3FB6]  }
0x39: {  	_ = 	snop;
	(pc) =	sbr.ind lr, $3  }
0x3a: {  	_ = 	snop  }
0x3b: {  	_ = 	snop  }
0x3c: {  	p2 =	seq.s32 s10, $0x1;
	s10 =	sld [smem:$0x3FB5]  }
0x3d: {  	_ =	shalt  }
0x3e: {  	_ =	shalt  }
0x3f: {  	_ =	shalt  }
0x40: {  	_ =	shalt  }
0x41: {  	_ =	shalt  }
0x42: {  	_ =	shalt  }
0x43: {  	_ =	shalt  }
0x44: {  	_ =	shalt  }
0x45: {  	_ =	shalt  }
0x46: {  	_ =	shalt  }
0x47: {  	_ =	shalt  }
0x48: {  	_ =	shalt  }
0x49: {  	_ =	shalt  }
0x4a: {  	_ =	shalt  }
0x4b: {  	_ =	shalt  }
0x4c: {  	_ =	shalt  }
0x4d: {  	_ =	shalt  }
0x4e: {  	_ =	shalt  }
0x4f: {  	_ =	shalt  }
0x50: {  	_ =	shalt  }
0x51: {  	_ =	shalt  }
0x52: {  	_ =	shalt  }
0x53: {  	_ =	shalt  }
0x54: {  	_ =	shalt  }
0x55: {  	_ =	shalt  }
0x56: {  	_ =	shalt  }
0x57: {  	_ =	shalt  }
0x58: {  	_ =	shalt  }
0x59: {  	_ =	shalt  }
0x5a: {  	_ =	shalt  }
0x5b: {  	_ =	shalt  }
0x5c: {  	_ =	shalt  }
0x5d: {  	_ =	shalt  }
0x5e: {  	_ =	shalt  }
0x5f: {  	_ =	shalt  }
0x60: {  	_ =	shalt  }
0x61: {  	_ =	shalt  }
0x62: {  	_ =	shalt  }
0x63: {  	_ =	shalt  }
0x64: {  	_ =	shalt  }
0x65: {  	_ =	shalt  }
0x66: {  	_ =	shalt  }
0x67: {  	_ =	shalt  }
0x68: {  	_ =	shalt  }
0x69: {  	_ =	shalt  }
0x6a: {  	_ =	shalt  }
0x6b: {  	_ =	shalt  }
0x6c: {  	_ =	shalt  }
0x6d: {  	_ =	shalt  }
0x6e: {  	_ =	shalt  }
0x6f: {  	_ =	shalt  }
0x70: {  	_ =	shalt  }
0x71: {  	_ =	shalt  }
0x72: {  	_ =	shalt  }
0x73: {  	_ =	shalt  }
0x74: {  	_ =	shalt  }
0x75: {  	_ =	shalt  }
0x76: {  	_ =	shalt  }
0x77: {  	_ =	shalt  }
0x78: {  	_ =	shalt  }
0x79: {  	_ =	shalt  }
0x7a: {  	_ =	shalt  }
0x7b: {  	_ =	shalt  }
0x7c: {  	_ =	shalt  }
0x7d: {  	_ =	shalt  }
0x7e: {  	_ =	shalt  }
0x7f: {  	_ =	shalt  }
0x80: {  	_ =	shalt  }
0x81: {  	_ =	shalt  }
0x82: {  	_ =	shalt  }
0x83: {  	_ =	shalt  }
0x84: {  	_ =	shalt  }
0x85: {  	_ =	shalt  }
0x86: {  	_ =	shalt  }
0x87: {  	_ =	shalt  }
.Lfunc_end0:
.L_simem_size_0:
called_computation.2_lowered:
.L_overlay_start_0:
0x88: {  	s2 =	sld [smem:$0x3FD9]  }
0x89: {  	s3 =	sld [smem:$0x3FFE];
	_ =	sdelay $0x1  }
0x8a: {  	s1 =	srdreg.scid  }
0x8b: {  	s0 =	sand.u32 $0x1, s1  }
0x8c: {  	s17 =	sshll.u32 s0, $0xA;
	s2 =	sadd.s32 s3, s2  }
0x8d: {  	s2 =	sadd.s32 s2, s17  }
0x8e: {  	[smem:$0x3FC1] =	sst s2  }
0x8f: {  	_ = 	snop  }
0x90: {  	s2 =	sld [smem:$0x3FD0];
	(tm) =	ssettm $0x1  }
0x91: {  	s18 =	sld [smem:$0x3FFB];
	_ =	sdelay $0x3  }
0x92: {  	_ =	strace s18  }
0x93: {  	s3 =	sld [smem:$0x3FFC];
	_ =	sdelay $0x3  }
0x94: {  	_ =	strace s3  }
0x95: {  	s3 =	sld [smem:$0x3FFD];
	_ =	sdelay $0x3  }
0x96: {  	_ =	strace s3  }
0x97: {  	_ =	strace $0x8FFFFFFF  }
0x98: {  	s19 =	sld [smem:$0x3FDB];
	_ =	sdelay $0x1  }
0x99: {  	s4 =	simm.s32 $_scs_section_size  }
0x9a: {  	s5 =	simm.s32 $_size__tile_overlayer_lowered;
	s6 =	simm.s32 $_tile_overlayer_lowered  }
0x9b: {  	s22 =	simm.s32 $0x1BFF;
	s21 =	sshll.u32 s6, $0x1;
	s3 =	sadd.s32 s4, s19  }
0x9c: {  	s7 =	simm.s32 $0x0;
	s20 =	sshll.u32 s5, $0x1;
	s5 =	sadd.s32 s21, s3  }
0x9d: {  	[timem:s7], [sflag:s22] =	dma.local [hbm:s5], s20  }
0x9e: {  	_ =	swait.ge [sflag:s22], s20  }
0x9f: {  	s4 =	ssub.s32 $0x0, s20;
	[sflag:s22] =	ssyncset.done $0x0  }
0xa0: {  	[sflag:s22] =	ssyncadd.s32 s4;
	_ =	sdelay $0x1  }
0xa1: {  	s23 =	simm.s32 $0x1B8B  }
0xa2: {  	_ =	swait.ge [sflag:s23], $0x1  }
0xa3: {  	[sflag:s23] =	ssyncset.done $0x0  }
0xa4: {  	s25 =	simm.s32 $0x1B8E;
	s24 =	sld [smem:$0x3FFE];
	[sflag:s23] =	ssyncadd.s32 $0xFFFFFFFF  }
0xa5: {  	s26 =	simm.s32 $execute0_lowered;
	[smem:$0x3FD2] =	sst s25  }
0xa6: {  	s5 =	sshll.u32 s26, $0x1;
	_ =	strace $0x8000004C;
	[dreg:$0x1] =	wrdreg $0xFFFFFFFF  }
0xa7: {  	s28 =	simm.s32 $_size_execute0_lowered;
	s3 =	sadd.s32 s3, s5;
	[dreg:$0x0] =	wrdreg $0x0  }
0xa8: {  	s5 =	sshll.u32 s28, $0x1;
	[dreg:$0x2] =	wrdreg s3  }
0xa9: {  	[dreg:$0x3] =	wrdreg s5  }
0xaa: {  	[dreg:$0x4] =	wrdreg $0xC0  }
0xab: {  	_ =	task [dreg:s7], $0x5FFFF  }
0xac: {  	[dreg:$0x1] =	wrdreg $0xFFFFFFFF  }
0xad: {  	[dreg:$0x0] =	wrdreg $0x60  }
0xae: {  	[dreg:$0x2] =	wrdreg s24  }
0xaf: {  	[dreg:$0x3] =	wrdreg s2  }
0xb0: {  	[dreg:$0x4] =	wrdreg $0xB7800  }
0xb1: {  	[dreg:$0x5] =	wrdreg $0x9  }
0xb2: {  	_ =	task.clear_ibuf [dreg:s7], $0x6FFFF;
	_ =	strace $0x9000004C  }
0xb3: {  	s29 =	simm.s32 $0x9;
	_ =	strace $0x8000004E  }
0xb4: {  	_ =	swait.ge [sflag:s29], $0x1  }
0xb5: {  	[sflag:s29] =	ssyncadd.s32 $0xFFFFFFFF  }
0xb6: {  	_ =	strace $0x9000004E  }
0xb7: {  	_ =	sfence  }
0xb8: {  	s30 =	sld [smem:$0x0];
	_ =	sdelay $0x2  }
0xb9: {  	s31 =	sshll.u32 s1, $0xD;
	s1 =	sshrl.u32 s1, $0x2  }
0xba: {  	s3 =	sand.u32 $0x4000, s31;
	s1 =	sadd.s32 s1, s30  }
0xbb: {  	s0 =	sor.u32 s3, s0;
	s1 =	sshll.u32 s1, $0x11  }
0xbc: {  	s0 =	sor.u32 s1, s0  }
0xbd: {  	s0 =	sadd.s32 $0x8F2B, s0  }
0xbe: {  	[sflag:s0] =	ssyncadd.remote.s32 $0x1  }
0xbf: {  	_ =	sfence.sel $0xFFFF  }
0xc0: {  	[dreg:$0x0] =	wrdreg $0xFFFFFFFF;
	(pc) =	sbr.abs _section_cstart, $3  }
0xc1: {  	[dreg:$0x1] =	wrdreg $0xFFFFFFFF  }
0xc2: {  	_ =	task.clear_ibuf [dreg:s7], $0x2FFFF;
	_ =	strace $0x9FFFFFFF  }
0xc3: {  	(tm) =	ssettm $0x7FFFFFFF  }
tec
execute0_lowered:
.L_overlay_start_1:
0x0: {  	(tag) =	ssettag $0x1  }
0x1: {  	s1 =	srdreg.scid;
	s5 =	rddreg [dreg:$0x0]  }
0x2: {  	s0 =	stileid.u32;
	s7 =	rddreg [dreg:$0x1]  }
0x3: {  	s2 =	rddreg [dreg:$0x2];
	s3 =	simm.s32 $0x0;
	s16 =	simm.s32 $0x2800  }
0x4: {  	s17 =	simm.s32 $0x80;
	s18 =	simm.s32 $0x400;
	s19 =	simm.s32 $0x5000  }
0x5: {  	s20 =	simm.s32 $0x7780;
	s21 =	simm.s32 $0x0;
	s12 =	smul.u32 $0x14000, s0  }
0x6: {  	s6 =	sand.u32 $0x1, s1;
	s9 =	sshrl.u32 s0, $0x2;
	s29 =	smul.u32 $0x50000, s0  }
0x7: {  	s28 =	sshll.u32 s0, $0x1;
	s1 =	rddreg [dreg:$0x3];
	s9 =	smul.u32 $0x13C00, s9  }
0x8: {  	[smem:$0x7FF] =	sst s3;
	s4 =	sor.u32 s6, s28;
	s10 =	smul.u32 $0x140000, s6  }
0x9: {  	_ =	strace $0x8000004D;
	s6 =	ssub.s32 $0x2, s6;
	s8 =	smul.u32 $0x500, s4  }
0xa: {  	s4 =	sshll.u32 s4, $0x7;
	s30 =	sshrl.u32 s6, $0x1;
	s31 =	sshrl.u32 s29, $0x2  }
0xb: {  	s11 =	sand.u32 $0x380, s4;
	s4 =	sadd.s32 $0x29C00, s5;
	s10 =	sadd.s32 s12, s10  }
0xc: {  	s15 =	ssub.s32 s6, s30;
	s6 =	sadd.s32 s31, s2;
	s13 =	sadd.s32 s8, s5  }
0xd: {  	s9 =	sor.u32 s9, s11;
	s10 =	sshrl.u32 s10, $0x3;
	s11 =	sadd.s32 $0xC000, s6  }
0xe: {  	s12 =	sadd.s32 $0x10000, s6;
	s9 =	sshrl.u32 s9, $0x3;
	s14 =	sadd.s32 s10, s5  }
0xf: {  	s10 =	sadd.s32 $0x8000, s6;
	s9 =	sadd.s32 s9, s5;
	s5 =	sadd.s32 s7, s8  }
0x10: {  	s7 =	sadd.s32 $0x1FC00, s13;
	s13 =	sadd.s32 $0x51C00, s14;
	s14 =	smax.u32 s15, $0x1  }
0x11: {  	v0 =	vimm.f32 $0.0e+00;
	s15 =	simm.s32 $0x1;
	s8 =	sadd.s32 $0x2000, s9;
	s9 =	sadd.s32 $0x4000, s6  }
.LBB2_1:
0x12: {  	[tilespmem:s3], [sflag:$0x1] =	stream.linear.gather [hbm4b:s5+s3], $0x2780, $0x38;
	[tilespmem:$0x1F780] =	vst v63  }
0x13: {  	_ =	swait.ge [sflag:s15], $0x2780  }
0x14: {  	[sflag:s15] =	ssyncset.done $0x0  }
0x15: {  	[sflag:s15] =	ssyncadd.s32 $0xFFFFD880  }
0x16: {  	[tilespmem:s16], [sflag:$0x1] =	stream.linear.gather [hbm4b:s7+s3], $0x2780, $0x38;
	[tilespmem:$0x1F780] =	vst v63  }
0x17: {  	_ =	swait.ge [sflag:s15], $0x2780  }
0x18: {  	[sflag:s15] =	ssyncset.done $0x0  }
0x19: {  	[sflag:s15] =	ssyncadd.s32 $0xFFFFD880  }
0x1a: {  	[tilespmem:s19], [sflag:$0x1] =	stream.strided.gather [hbm4b:s8+s17], $0x2780, s18, s17, $0x38;
	[tilespmem:$0x1F780] =	vst v63  }
0x1b: {  	s22 =	sand.u32 $0xFE00, s3;
	s23 =	sand.u32 $0x70, s3;
	_ =	swait.ge [sflag:s15], $0x2780  }
0x1c: {  	s24 =	sshrl.u32 s22, $0x2;
	s22 =	simm.s32 $0x40;
	[sflag:s15] =	ssyncset.done $0x0  }
0x1d: {  	s24 =	sor.u32 s23, s24;
	s23 =	simm.s32 $0x0;
	[sflag:s15] =	ssyncadd.s32 $0xFFFFD880  }
.LBB2_2:
0x1e: {  	p0 =	sne.s32 s22, $0xFFC0  }
0x1f: {  	[tilespmem:s24+$0x7780] =	vst v0;
	s23 =	sadd.s32 $0x10, s23;
	s24 =	smov.u32 s22;
	s22 =	sadd.s32 $0x40, s22  }
.Ltmp0:
0x20: {  	(pc) =	sbr.rel @p0 .LBB2_2-.Ltmp0, $4  }
0x21: {  	_ = 	snop  }
0x22: {  	s24 =	sand.u32 $0xFE00, s24  }
0x23: {  	s25 =	sand.u32 $0x70, s23;
	s24 =	sshrl.u32 s24, $0x2  }
0x24: {  	s24 =	sor.u32 s25, s24  }
0x25: {  	[tilespmem:s24+$0x7780] =	vst v0  }
0x26: {  	[spmem:s6] =	stream.linear.scatter [tilespmem:s20], [sflag:$0x1], $0x4000, $0x38;
	[tilespmem:$0x1F780] =	vst v63  }
0x27: {  	_ =	swait.ge [sflag:s15], $0x4000  }
0x28: {  	[sflag:s15] =	ssyncset.done $0x0  }
0x29: {  	[sflag:s15] =	ssyncadd.s32 $0xFFFFC000  }
0x2a: {  	[spmem:s9] =	stream.linear.scatter [tilespmem:s20], [sflag:$0x1], $0x4000, $0x38;
	[tilespmem:$0x1F780] =	vst v63  }
0x2b: {  	_ =	swait.ge [sflag:s15], $0x4000  }
0x2c: {  	[sflag:s15] =	ssyncset.done $0x0  }
0x2d: {  	[sflag:s15] =	ssyncadd.s32 $0xFFFFC000  }
0x2e: {  	[spmem:s10] =	stream.linear.scatter [tilespmem:s20], [sflag:$0x1], $0x4000, $0x38;
	[tilespmem:$0x1F780] =	vst v63  }
0x2f: {  	_ =	swait.ge [sflag:s15], $0x4000  }
0x30: {  	[sflag:s15] =	ssyncset.done $0x0  }
0x31: {  	[sflag:s15] =	ssyncadd.s32 $0xFFFFC000  }
0x32: {  	[spmem:s11] =	stream.linear.scatter [tilespmem:s20], [sflag:$0x1], $0x4000, $0x38;
	[tilespmem:$0x1F780] =	vst v63  }
0x33: {  	_ =	swait.ge [sflag:s15], $0x4000  }
0x34: {  	[sflag:s15] =	ssyncset.done $0x0  }
0x35: {  	[sflag:s15] =	ssyncadd.s32 $0xFFFFC000  }
0x36: {  	[spmem:s12] =	stream.linear.scatter [tilespmem:s20], [sflag:$0x1], $0x4000, $0x38;
	[tilespmem:$0x1F780] =	vst v63  }
0x37: {  	_ =	swait.ge [sflag:s15], $0x4000  }
0x38: {  	[sflag:s15] =	ssyncset.done $0x0  }
0x39: {  	[sflag:s15] =	ssyncadd.s32 $0xFFFFC000  }
0x3a: {  	s22 =	simm.s32 $0x0;
	s23 =	simm.s32 $0x0;
	[bflag:$0x0] =	sbarrier.arrive $0xFFFF  }
.LBB2_4:
0x3b: {  	s24 =	sshll.u32 s23, $0x7  }
0x3c: {  	[tilespmem:s20], [sflag:$0x1] =	stream.indirect.gather [hbm4b:s4+s17], $0x80, s24, s17, $0xb8;
	[tilespmem:$0x1F780] =	vst v63  }
0x3d: {  	s25 =	sadd.s32 $0x0, s22;
	_ =	swait.ge [sflag:s15], $0x4000  }
0x3e: {  	v1 =	vmov s25;
	[sflag:s15] =	ssyncset.done $0x0  }
0x3f: {  	s25 =	simm.s32 $0x77C0;
	[sflag:s15] =	ssyncadd.s32 $0xFFFFC000  }
0x40: {  	v5 =	vld [tilespmem:s25+$0x30]  }
0x41: {  	v8 =	vld [tilespmem:s25+$0x10]  }
0x42: {  	v6 =	vld [tilespmem:s25+$0xFFFFFFC0]  }
0x43: {  	v2 =	vld.idx.msk [tilespmem:v1+s19+$0x0], $0xffff  }
0x44: {  	v10 =	vld [tilespmem:s25+$0xFFFFFFE0]  }
0x45: {  	v3 =	vld [tilespmem:s25+$0x20]  }
0x46: {  	v4 =	vld [tilespmem:s25+$0xFFFFFFD0]  }
0x47: {  	v1 =	vld [tilespmem:s25+$0xFFFFFFF0]  }
0x48: {  	v9 =	vmul.f32 v5, v2;
	v5 =	vld [tilespmem:s25+$0x0]  }
0x49: {  	v7 =	vmul.f32 v6, v2  }
0x4a: {  	s26 =	simm.s32 $0x1;
	s28 =	simm.s32 $0x77C0;
	v6 =	vmul.f32 v10, v2;
	v8 =	vmul.f32 v8, v2  }
.LBB2_5:
0x4b: {  	p0 =	sne.s32 s26, $0x7F  }
0x4c: {  	v4 =	vmul.f32 v4, v2;
	v3 =	vmul.f32 v3, v2;
	[tilespmem:s25+$0x30] =	vst v9;
	s28 =	sadd.s32 $0x80, s28;
	s29 =	smov.u32 s26;
	s26 =	sadd.s32 $0x1, s26  }
0x4d: {  	[tilespmem:s25+$0xFFFFFFC0] =	vst v7;
	v7 =	vmul.f32 v1, v2;
	v2 =	vmul.f32 v5, v2  }
0x4e: {  	s29 =	sadd.s32 s29, s22;
	[tilespmem:s25+$0x10] =	vst v8  }
0x4f: {  	v5 =	vmov s29;
	[tilespmem:s25+$0xFFFFFFE0] =	vst v6  }
0x50: {  	v1 =	vld [tilespmem:s28+$0xFFFFFFF0];
	[tilespmem:s25+$0xFFFFFFF0] =	vst v7  }
0x51: {  	v6 =	vld [tilespmem:s28+$0x30];
	[tilespmem:s25+$0x0] =	vst v2  }
0x52: {  	v8 =	vld [tilespmem:s28+$0x10];
	[tilespmem:s25+$0x20] =	vst v3  }
0x53: {  	v7 =	vld [tilespmem:s28+$0xFFFFFFC0];
	[tilespmem:s25+$0xFFFFFFD0] =	vst v4;
	s25 =	smov.u32 s28  }
0x54: {  	v2 =	vld.idx.msk [tilespmem:v5+s19+$0x0], $0xffff  }
0x55: {  	v10 =	vld [tilespmem:s28+$0xFFFFFFE0]  }
0x56: {  	v3 =	vld [tilespmem:s28+$0x20]  }
.Ltmp1:
0x57: {  	v4 =	vld [tilespmem:s28+$0xFFFFFFD0];
	(pc) =	sbr.rel @p0 .LBB2_5-.Ltmp1, $3  }
0x58: {  	v5 =	vld [tilespmem:s28+$0x0];
	_ =	sdelay $0x1  }
0x59: {  	v7 =	vmul.f32 v7, v2;
	v9 =	vmul.f32 v6, v2  }
0x5a: {  	v8 =	vmul.f32 v8, v2;
	v6 =	vmul.f32 v10, v2  }
0x5b: {  	[tilespmem:s25+$0x30] =	vst v9  }
0x5c: {  	[tilespmem:s25+$0xFFFFFFC0] =	vst v7  }
0x5d: {  	v1 =	vmul.f32 v1, v2;
	[tilespmem:s25+$0x10] =	vst v8  }
0x5e: {  	v3 =	vmul.f32 v3, v2;
	[tilespmem:s25+$0xFFFFFFE0] =	vst v6  }
0x5f: {  	v5 =	vmul.f32 v5, v2;
	[tilespmem:s25+$0xFFFFFFF0] =	vst v1  }
0x60: {  	s23 =	sadd.s32 $0x1, s23;
	v1 =	vmul.f32 v4, v2;
	[tilespmem:s25+$0x20] =	vst v3  }
0x61: {  	p0 =	sne.s32 s23, $0x4F;
	[tilespmem:s25+$0x0] =	vst v5  }
.Ltmp2:
0x62: {  	s24 =	sadd.s32 $0x2800, s24;
	[tilespmem:s25+$0xFFFFFFD0] =	vst v1;
	(pc) =	sbr.rel @p0 .LBB2_4-.Ltmp2, $4  }
0x63: {  	[spmem:s2] =	stream.indirect.scatter.add.f32 [tilespmem:s20], [sflag:$0x1], $0x80, s24, s17, $0xb8;
	[tilespmem:$0x1F780] =	vst v63  }
0x64: {  	_ =	swait.ge [sflag:s15], $0x4000  }
0x65: {  	[sflag:s15] =	ssyncset.done $0x0  }
0x66: {  	s22 =	sadd.s32 $0x80, s22;
	[sflag:s15] =	ssyncadd.s32 $0xFFFFC000  }
0x67: {  	s21 =	sadd.s32 $0x1, s21  }
0x68: {  	s22 =	sshll.u32 s0, $0x6;
	[bflag:$0x0] =	sbarrier.arrive $0xFFFF;
	p0 =	sne.s32 s21, s14  }
.Ltmp3:
0x69: {  	s23 =	sshrl.u32 s6, $0x3;
	s22 =	sor.u32 $0x1C01, s22;
	(pc) =	sbr.rel @p0 .LBB2_1-.Ltmp3, $4  }
0x6a: {  	[hbm:s13], [sflag:s22] =	dma.local [spmem:s23], $0x2800  }
0x6b: {  	_ =	swait.ge [sflag:s15], $0x2800  }
0x6c: {  	[sflag:s15] =	ssyncset.done $0x0  }
0x6d: {  	[sflag:s15] =	ssyncadd.s32 $0xFFFFD800  }
0x6e: {  	_ =	sfence.sel $0x180000  }
0x6f: {  	[bflag:$0x0] =	sbarrier.arrive $0xFFFF  }
0x70: {  	p0 =	sne.s32 s0, $0x0;
	_ =	strace $0x9000004D  }
0x71: {  	s0 =	sadd.s32 @!p0 $0x100000, s1;
	[bflag:$0x2] =	sbarrier.arrive $0xFFFF  }
0x72: {  	[sflag:s0] =	ssyncadd.tile.s32 @!p0 $0x1;
	_ =	shalt  }
.Lfunc_end2:
_tile_overlayer_lowered:
.L_overlay_start_2:
0x73: {  	(tag) =	ssettag $0x2  }
0x74: {  	s0 =	rddreg [dreg:$0x0];
	s2 =	stileid.u32  }
0x75: {  	s1 =	rddreg [dreg:$0x1];
	p0 =	sne.s32 s2, $0x0  }
0x76: {  	s3 =	rddreg [dreg:$0x2];
	[bflag:$0x3] =	sbarrier.arrive $0xFFFF;
	s2 =	simm.s32 @!p0 $0x1C01  }
0x77: {  	[timem:s3], [sflag:s2] =	dma.local @!p0 [hbm:s0], s1  }
0x78: {  	s0 =	simm.s32 @!p0 $0x1  }
0x79: {  	_ =	swait.ge @!p0 [sflag:s0], s1  }
0x7a: {  	s1 =	ssub.s32 @!p0 $0x0, s1;
	[sflag:s0] =	ssyncset.done @!p0 $0x0  }
0x7b: {  	[sflag:s0] =	ssyncadd.s32 @!p0 s1  }
0x7c: {  	[bflag:$0x3] =	sbarrier.arrive $0xFFFF  }
0x7d: {  	_ =	shalt  }

// kernel: kernel.9.cloned.1.call-start
scs
__scs_entry_jumppad:
0x0: {  	(pc) =	sbr.rel $0x88, $3  }
0x1: {  	(tag) =	ssettag $0x0;
	lr =	simm.s32 $0x1  }
0x2: {  	[smem:$0x3F9A] =	sst lr;
	_ =	strace $0xD0000000  }
0x3: {  	_ = 	snop  }
0x4: {  	_ = 	snop  }
0x5: {  	_ = 	snop  }
0x6: {  	_ = 	snop  }
0x7: {  	_ = 	snop  }
__scs_overlays_trampoline_lowered:
0x8: {  	[smem:$0x3FA9] =	sst s0  }
0x9: {  	[smem:$0x3FAA] =	sst s1  }
0xa: {  	[smem:$0x3FAB] =	sst s2  }
0xb: {  	[smem:$0x3FAC] =	sst s3  }
0xc: {  	[smem:$0x3FAD] =	sst s4  }
0xd: {  	[smem:$0x3FAE] =	sst s5  }
0xe: {  	[smem:$0x3FAF] =	sst s6  }
0xf: {  	[smem:$0x3FB0] =	sst s7  }
0x10: {  	[smem:$0x3FB1] =	sst s8  }
0x11: {  	[smem:$0x3FB2] =	sst s9;
	s0 =	simm.s32 @!p0 $0x0  }
0x12: {  	s1 =	sld [smem:$0x3F98];
	s0 =	simm.s32 @p0 $0x1  }
0x13: {  	[smem:$0x3FB3] =	sst s0;
	s0 =	simm.s32 @!p1 $0x0  }
0x14: {  	s2 =	sld [smem:$0x3F97];
	s0 =	simm.s32 @p1 $0x1  }
0x15: {  	[smem:$0x3FB4] =	sst s0;
	s0 =	simm.s32 @!p2 $0x0  }
0x16: {  	s3 =	sld [smem:$0x3FDB];
	s0 =	simm.s32 @p2 $0x1  }
0x17: {  	s4 =	simm.s32 $0x1BF5;
	[smem:$0x3FB6] =	sst s0  }
0x18: {  	s0 =	sld [smem:$0x3F99];
	_ =	swait.ge [sflag:s4], $0x0  }
0x19: {  	s7 =	sld [smem:$0x3F9A]  }
0x1a: {  	s8 =	sadd.s32 $0xFFFFE003, lr  }
0x1b: {  	s9 =	sadd.s32 $0xFFFFFEF7, lr;
	s5 =	simm.s32 $0xFFFFFFFF;
	p2 =	slt.u32 s8, $0xFFFFF086  }
0x1c: {  	p1 =	slt.u32 s9, $0xF7A;
	s5 =	simm.s32 @!p2 $0x0  }
0x1d: {  	s5 =	simm.s32 @p1 $0x1;
	p0 =	seq.s32 s7, s2  }
0x1e: {  	s7 =	smul.u32 @!p0 $0xF7A, s2;
	p2 =	seq.s32 @!p0 s5, $0x0  }
0x1f: {  	s9 =	smul.u32 $0xF7A, s1;
	s8 =	simm.s32 @!p0 $0x1BF5;
	p2 =	por !p2, p0  }
0x20: {  	[sflag:s8] =	ssyncset.s32 @!p0 $0xFFFFF086;
	s6 =	sadd.s32 @!p0 s3, s7;
	s7 =	simm.s32 @!p0 $0x108  }
0x21: {  	s3 =	sadd.s32 s3, s9;
	s6 =	sadd.s32 @!p0 $0x88, s6;
	s7 =	simm.s32 @p2 $0x1082  }
0x22: {  	[simem:s7], [sflag:s8] =	dma.local @!p0 [hbm:s6], $0xF7A  }
0x23: {  	s9 =	sor.u32 $0xD0000000, s2;
	s6 =	simm.s32 $0x108;
	_ =	swait.ge @!p0 [sflag:s8], $0x0  }
0x24: {  	s3 =	sadd.s32 $0x88, s3;
	s6 =	simm.s32 @!p1 $0x1082;
	[sflag:s4] =	ssyncset.s32 $0xFFFFF086  }
0x25: {  	[simem:s6], [sflag:s4] =	dma.local [hbm:s3], $0xF7A  }
0x26: {  	[smem:$0x3F9A] =	sst s1;
	(tag) =	ssettag s2;
	_ =	strace s9  }
0x27: {  	s1 =	sld [smem:$0x3FAA]  }
0x28: {  	s2 =	sld [smem:$0x3FAB]  }
0x29: {  	s4 =	sld [smem:$0x3FAD]  }
0x2a: {  	p0 =	seq.s32 s5, $0x0;
	s5 =	sld [smem:$0x3FAE]  }
0x2b: {  	s6 =	sld [smem:$0x3FAF]  }
0x2c: {  	s7 =	sld [smem:$0x3FB0]  }
0x2d: {  	s3 =	simm.s32 $0x108;
	s8 =	sld [smem:$0x3FB1]  }
0x2e: {  	s3 =	simm.s32 @!p0 $0x1082;
	s9 =	sld [smem:$0x3FB2]  }
0x2f: {  	lr =	sadd.s32 s0, s3;
	s0 =	sld [smem:$0x3FA9]  }
0x30: {  	s3 =	sld [smem:$0x3FAC]  }
0x31: {  	[smem:$0x3FB5] =	sst s10  }
0x32: {  	s10 =	sld [smem:$0x3FB3];
	_ =	sdelay $0x3  }
0x33: {  	p0 =	seq.s32 s10, $0x1;
	s10 =	sld [smem:$0x3FB5];
	_ =	sdelay $0x3  }
0x34: {  	[smem:$0x3FB5] =	sst s10  }
0x35: {  	s10 =	sld [smem:$0x3FB4];
	_ =	sdelay $0x3  }
0x36: {  	p1 =	seq.s32 s10, $0x1;
	s10 =	sld [smem:$0x3FB5];
	_ =	sdelay $0x3  }
0x37: {  	[smem:$0x3FB5] =	sst s10  }
0x38: {  	s10 =	sld [smem:$0x3FB6]  }
0x39: {  	_ = 	snop;
	(pc) =	sbr.ind lr, $3  }
0x3a: {  	_ = 	snop  }
0x3b: {  	_ = 	snop  }
0x3c: {  	p2 =	seq.s32 s10, $0x1;
	s10 =	sld [smem:$0x3FB5]  }
0x3d: {  	_ =	shalt  }
0x3e: {  	_ =	shalt  }
0x3f: {  	_ =	shalt  }
0x40: {  	_ =	shalt  }
0x41: {  	_ =	shalt  }
0x42: {  	_ =	shalt  }
0x43: {  	_ =	shalt  }
0x44: {  	_ =	shalt  }
0x45: {  	_ =	shalt  }
0x46: {  	_ =	shalt  }
0x47: {  	_ =	shalt  }
0x48: {  	_ =	shalt  }
0x49: {  	_ =	shalt  }
0x4a: {  	_ =	shalt  }
0x4b: {  	_ =	shalt  }
0x4c: {  	_ =	shalt  }
0x4d: {  	_ =	shalt  }
0x4e: {  	_ =	shalt  }
0x4f: {  	_ =	shalt  }
0x50: {  	_ =	shalt  }
0x51: {  	_ =	shalt  }
0x52: {  	_ =	shalt  }
0x53: {  	_ =	shalt  }
0x54: {  	_ =	shalt  }
0x55: {  	_ =	shalt  }
0x56: {  	_ =	shalt  }
0x57: {  	_ =	shalt  }
0x58: {  	_ =	shalt  }
0x59: {  	_ =	shalt  }
0x5a: {  	_ =	shalt  }
0x5b: {  	_ =	shalt  }
0x5c: {  	_ =	shalt  }
0x5d: {  	_ =	shalt  }
0x5e: {  	_ =	shalt  }
0x5f: {  	_ =	shalt  }
0x60: {  	_ =	shalt  }
0x61: {  	_ =	shalt  }
0x62: {  	_ =	shalt  }
0x63: {  	_ =	shalt  }
0x64: {  	_ =	shalt  }
0x65: {  	_ =	shalt  }
0x66: {  	_ =	shalt  }
0x67: {  	_ =	shalt  }
0x68: {  	_ =	shalt  }
0x69: {  	_ =	shalt  }
0x6a: {  	_ =	shalt  }
0x6b: {  	_ =	shalt  }
0x6c: {  	_ =	shalt  }
0x6d: {  	_ =	shalt  }
0x6e: {  	_ =	shalt  }
0x6f: {  	_ =	shalt  }
0x70: {  	_ =	shalt  }
0x71: {  	_ =	shalt  }
0x72: {  	_ =	shalt  }
0x73: {  	_ =	shalt  }
0x74: {  	_ =	shalt  }
0x75: {  	_ =	shalt  }
0x76: {  	_ =	shalt  }
0x77: {  	_ =	shalt  }
0x78: {  	_ =	shalt  }
0x79: {  	_ =	shalt  }
0x7a: {  	_ =	shalt  }
0x7b: {  	_ =	shalt  }
0x7c: {  	_ =	shalt  }
0x7d: {  	_ =	shalt  }
0x7e: {  	_ =	shalt  }
0x7f: {  	_ =	shalt  }
0x80: {  	_ =	shalt  }
0x81: {  	_ =	shalt  }
0x82: {  	_ =	shalt  }
0x83: {  	_ =	shalt  }
0x84: {  	_ =	shalt  }
0x85: {  	_ =	shalt  }
0x86: {  	_ =	shalt  }
0x87: {  	_ =	shalt  }
.Lfunc_end0:
.L_simem_size_0:
called_computation_lowered:
.L_overlay_start_0:
0x88: {  	s2 =	sld [smem:$0x3FD9]  }
0x89: {  	s3 =	sld [smem:$0x3FFE];
	_ =	sdelay $0x1  }
0x8a: {  	s1 =	srdreg.scid  }
0x8b: {  	s0 =	sand.u32 $0x1, s1  }
0x8c: {  	s16 =	sshll.u32 s0, $0xA;
	s2 =	sadd.s32 s3, s2  }
0x8d: {  	s2 =	sadd.s32 s2, s16  }
0x8e: {  	[smem:$0x3FC1] =	sst s2  }
0x8f: {  	_ = 	snop  }
0x90: {  	(tm) =	ssettm $0x1  }
0x91: {  	s17 =	sld [smem:$0x3FFB];
	_ =	sdelay $0x3  }
0x92: {  	_ =	strace s17  }
0x93: {  	s2 =	sld [smem:$0x3FFC];
	_ =	sdelay $0x3  }
0x94: {  	_ =	strace s2  }
0x95: {  	s2 =	sld [smem:$0x3FFD];
	_ =	sdelay $0x3  }
0x96: {  	_ =	strace s2  }
0x97: {  	_ =	strace $0x8FFFFFFF  }
0x98: {  	s18 =	sld [smem:$0x3FDB];
	_ =	sdelay $0x1  }
0x99: {  	s19 =	simm.s32 $_scs_section_size  }
0x9a: {  	s4 =	simm.s32 $_size__tile_overlayer_lowered;
	s5 =	simm.s32 $_tile_overlayer_lowered  }
0x9b: {  	s22 =	simm.s32 $0x1BFF;
	s21 =	sshll.u32 s5, $0x1;
	s2 =	sadd.s32 s19, s18  }
0x9c: {  	s6 =	simm.s32 $0x0;
	s20 =	sshll.u32 s4, $0x1;
	s4 =	sadd.s32 s21, s2  }
0x9d: {  	[timem:s6], [sflag:s22] =	dma.local [hbm:s4], s20  }
0x9e: {  	_ =	swait.ge [sflag:s22], s20  }
0x9f: {  	s3 =	ssub.s32 $0x0, s20;
	[sflag:s22] =	ssyncset.done $0x0  }
0xa0: {  	[sflag:s22] =	ssyncadd.s32 s3;
	_ =	sdelay $0x1  }
0xa1: {  	s23 =	simm.s32 $0x1B8B  }
0xa2: {  	_ =	swait.ge [sflag:s23], $0x1  }
0xa3: {  	[sflag:s23] =	ssyncset.done $0x0  }
0xa4: {  	s25 =	simm.s32 $0x1B8E;
	s24 =	sld [smem:$0x3FFE];
	[sflag:s23] =	ssyncadd.s32 $0xFFFFFFFF  }
0xa5: {  	s26 =	simm.s32 $execute0_lowered;
	[smem:$0x3FD2] =	sst s25  }
0xa6: {  	s4 =	sshll.u32 s26, $0x1;
	_ =	strace $0x80000046;
	[dreg:$0x1] =	wrdreg $0xFFFFFFFF  }
0xa7: {  	s28 =	simm.s32 $_size_execute0_lowered;
	s2 =	sadd.s32 s2, s4;
	[dreg:$0x0] =	wrdreg $0x0  }
0xa8: {  	s4 =	sshll.u32 s28, $0x1;
	[dreg:$0x2] =	wrdreg s2  }
0xa9: {  	[dreg:$0x3] =	wrdreg s4  }
0xaa: {  	[dreg:$0x4] =	wrdreg $0xC0  }
0xab: {  	_ =	task [dreg:s6], $0x5FFFF  }
0xac: {  	[dreg:$0x1] =	wrdreg $0xFFFFFFFF  }
0xad: {  	[dreg:$0x0] =	wrdreg $0x60  }
0xae: {  	[dreg:$0x2] =	wrdreg s24  }
0xaf: {  	[dreg:$0x3] =	wrdreg $0x9  }
0xb0: {  	_ =	task.clear_ibuf [dreg:s6], $0x4FFFF;
	_ =	strace $0x90000046  }
0xb1: {  	s29 =	simm.s32 $0x9;
	_ =	strace $0x80000048  }
0xb2: {  	_ =	swait.ge [sflag:s29], $0x1  }
0xb3: {  	[sflag:s29] =	ssyncadd.s32 $0xFFFFFFFF  }
0xb4: {  	_ =	strace $0x90000048  }
0xb5: {  	_ =	sfence  }
0xb6: {  	s30 =	sld [smem:$0x0];
	_ =	sdelay $0x2  }
0xb7: {  	s31 =	sshll.u32 s1, $0xD;
	s1 =	sshrl.u32 s1, $0x2  }
0xb8: {  	s3 =	sand.u32 $0x4000, s31;
	s1 =	sadd.s32 s1, s30  }
0xb9: {  	s0 =	sor.u32 s3, s0;
	s1 =	sshll.u32 s1, $0x11  }
0xba: {  	s0 =	sor.u32 s1, s0  }
0xbb: {  	s0 =	sadd.s32 $0x8F2B, s0  }
0xbc: {  	[sflag:s0] =	ssyncadd.remote.s32 $0x1  }
0xbd: {  	_ =	sfence.sel $0xFFFF  }
0xbe: {  	[dreg:$0x0] =	wrdreg $0xFFFFFFFF;
	(pc) =	sbr.abs _section_cstart, $3  }
0xbf: {  	[dreg:$0x1] =	wrdreg $0xFFFFFFFF  }
0xc0: {  	_ =	task.clear_ibuf [dreg:s6], $0x2FFFF;
	_ =	strace $0x9FFFFFFF  }
0xc1: {  	(tm) =	ssettm $0x7FFFFFFF  }
tec
execute0_lowered:
.L_overlay_start_1:
0x0: {  	(tag) =	ssettag $0x1  }
0x1: {  	s3 =	rddreg [dreg:$0x0]  }
0x2: {  	s0 =	rddreg [dreg:$0x1];
	s2 =	simm.s32 $0x0;
	s4 =	srdreg.scid  }
0x3: {  	s1 =	stileid.u32;
	s9 =	simm.s32 $0x1;
	s10 =	simm.s32 $0x2780  }
0x4: {  	s11 =	simm.s32 $0x4F00;
	s4 =	sand.u32 $0x1, s4;
	s5 =	sshrl.u32 s1, $0x2  }
0x5: {  	s6 =	sshll.u32 s1, $0x8;
	[smem:$0x7FF] =	sst s2;
	s8 =	smul.u32 $0x13C00, s5  }
0x6: {  	s7 =	sshll.u32 s4, $0x7;
	s6 =	sand.u32 $0x300, s6;
	s5 =	smul.u32 $0x14000, s5  }
0x7: {  	s12 =	simm.s32 $0x0;
	_ =	strace $0x80000047;
	s6 =	sor.u32 s7, s6  }
0x8: {  	s4 =	ssub.s32 $0x2, s4;
	s7 =	sor.u32 s8, s6;
	s5 =	sor.u32 s5, s6  }
0x9: {  	s31 =	sshrl.u32 s4, $0x1;
	s7 =	sshrl.u32 s7, $0x3;
	s5 =	sshrl.u32 s5, $0x3  }
0xa: {  	s8 =	simm.s32 $0x400;
	s30 =	sadd.s32 s7, s3;
	s5 =	sadd.s32 s5, s3  }
0xb: {  	s7 =	ssub.s32 s4, s31;
	s3 =	sadd.s32 $0xBE00, s30;
	s4 =	sadd.s32 $0x2000, s30  }
0xc: {  	v0 =	vimm.f32 $0.0e+00;
	s5 =	sadd.s32 $0x15C00, s5;
	s6 =	smax.u32 s7, $0x1;
	s7 =	simm.s32 $0x80  }
.LBB2_1:
0xd: {  	[tilespmem:s2], [sflag:$0x1] =	stream.strided.gather [hbm4b:s3+s7], $0x2780, s8, s7, $0x38;
	[tilespmem:$0x7700] =	vst v63  }
0xe: {  	_ =	swait.ge [sflag:s9], $0x2780  }
0xf: {  	[sflag:s9] =	ssyncset.done $0x0  }
0x10: {  	[sflag:s9] =	ssyncadd.s32 $0xFFFFD880  }
0x11: {  	[tilespmem:s10], [sflag:$0x1] =	stream.strided.gather [hbm4b:s4+s7], $0x2780, s8, s7, $0x38;
	[tilespmem:$0x7700] =	vst v63  }
0x12: {  	_ =	swait.ge [sflag:s9], $0x2780  }
0x13: {  	[sflag:s9] =	ssyncset.done $0x0  }
0x14: {  	s13 =	simm.s32 $0x0;
	[sflag:s9] =	ssyncadd.s32 $0xFFFFD880  }
.LBB2_2:
0x15: {  	p0 =	sne.s32 s13, $0x9FC0  }
.Ltmp0:
0x16: {  	_ = 	snop;
	(pc) =	sbr.rel @p0 .LBB2_2-.Ltmp0, $3  }
0x17: {  	_ =	sdelay $0x1  }
0x18: {  	s14 =	sshra.s32 s13, $0x2  }
0x19: {  	s13 =	sadd.s32 $0x40, s13;
	[tilespmem:s14+$0x4F00] =	vst v0  }
0x1a: {  	s14 =	simm.s32 $0x0;
	s13 =	simm.s32 $0x40  }
.LBB2_4:
0x1b: {  	p0 =	sne.s32 s13, $0x9DC0;
	v1 =	vld [tilespmem:s14+$0x0];
	_ =	sdelay $0x2  }
0x1c: {  	v2 =	vld [tilespmem:s14+$0x2780]  }
.Ltmp1:
0x1d: {  	(pc) =	sbr.rel @p0 .LBB2_4-.Ltmp1, $2  }
0x1e: {  	_ =	sdelay $0x2  }
0x1f: {  	s14 =	sshra.s32 s13, $0x2;
	s13 =	sadd.s32 $0x40, s13;
	[tilespmem:v1+s11+$0x0] =	vst.idx.add.f32.msk $0xffff, v2  }
0x20: {  	v1 =	vld [tilespmem:s14+$0x0];
	_ =	sdelay $0x2  }
0x21: {  	v2 =	vld [tilespmem:s14+$0x2780];
	_ =	sdelay $0x2  }
0x22: {  	s12 =	sadd.s32 $0x1, s12  }
0x23: {  	p0 =	sne.s32 s12, s6  }
.Ltmp2:
0x24: {  	[tilespmem:v1+s11+$0x0] =	vst.idx.add.f32.msk $0xffff, v2;
	(pc) =	sbr.rel @p0 .LBB2_1-.Ltmp2, $4  }
0x25: {  	[hbm4b:s5+s7] =	stream.strided.scatter [tilespmem:s11], [sflag:$0x1], $0x2800, s8, s7, $0x38;
	[tilespmem:$0x7700] =	vst v63  }
0x26: {  	_ =	swait.ge [sflag:s9], $0x2800  }
0x27: {  	[sflag:s9] =	ssyncset.done $0x0  }
0x28: {  	[sflag:s9] =	ssyncadd.s32 $0xFFFFD800  }
0x29: {  	_ =	sfence.sel $0x180000  }
0x2a: {  	[bflag:$0x0] =	sbarrier.arrive $0xFFFF  }
0x2b: {  	p0 =	sne.s32 s1, $0x0;
	_ =	strace $0x90000047  }
0x2c: {  	s0 =	sadd.s32 @!p0 $0x100000, s0;
	[bflag:$0x2] =	sbarrier.arrive $0xFFFF  }
0x2d: {  	[sflag:s0] =	ssyncadd.tile.s32 @!p0 $0x1;
	_ =	shalt  }
.Lfunc_end2:
_tile_overlayer_lowered:
.L_overlay_start_2:
0x2e: {  	(tag) =	ssettag $0x2  }
0x2f: {  	s0 =	rddreg [dreg:$0x0];
	s2 =	stileid.u32  }
0x30: {  	s1 =	rddreg [dreg:$0x1];
	p0 =	sne.s32 s2, $0x0  }
0x31: {  	s3 =	rddreg [dreg:$0x2];
	[bflag:$0x3] =	sbarrier.arrive $0xFFFF;
	s2 =	simm.s32 @!p0 $0x1C01  }
0x32: {  	[timem:s3], [sflag:s2] =	dma.local @!p0 [hbm:s0], s1  }
0x33: {  	s0 =	simm.s32 @!p0 $0x1  }
0x34: {  	_ =	swait.ge @!p0 [sflag:s0], s1  }
0x35: {  	s1 =	ssub.s32 @!p0 $0x0, s1;
	[sflag:s0] =	ssyncset.done @!p0 $0x0  }
0x36: {  	[sflag:s0] =	ssyncadd.s32 @!p0 s1  }
0x37: {  	[bflag:$0x3] =	sbarrier.arrive $0xFFFF  }
0x38: {  	_ =	shalt  }

</sc_bundles>
